<compile_context>
chip_gen: v7x
topology: tpu7x:2x2x1
jax: 0.10.2.dev20260603
libtpu: 0.0.44.dev20260713+nightly
codegen_flags: <defaults>
</compile_context>

<pallas_src>
import dataclasses
import functools

import jax
import jax.numpy as jnp
from jax import lax
from jax.experimental import pallas as pl
from jax.experimental.pallas import tpu as pltpu
from jax.experimental.pallas import tpu_sc as plsc

BATCH = 1024
NUM_GROUP = 2
TAU = 0.2
VD = 16 * 768
AD = 128
TD = 768

NC = 2
NS = 16
L = 16
NW = NC * NS
BPW = BATCH // NW
VCHUNK = 8
TCHUNK = 16


def _argmax_body(g_ref, logit_ref, out_ref):
    v = g_ref[...] + logit_ref[...]
    m = jnp.max(v, axis=1, keepdims=True)
    cols = lax.broadcasted_iota(jnp.int32, v.shape, 1)
    masked = jnp.where(v == m, cols, BATCH)
    out_ref[...] = jnp.min(masked, axis=1, keepdims=True)


def _tc_argmax(gumbel_field, logit_row):
    return pl.pallas_call(
        _argmax_body,
        out_shape=jax.ShapeDtypeStruct((BATCH, 1), jnp.int32),
    )(gumbel_field, logit_row)


def _sc_gather_body(video_hbm, audio_hbm, text_hbm, tgt_hbm, grp_hbm, idx_hbm,
                    shuf_hbm, v_out, a_out, t_out, tg_out, gr_out,
                    idx_v, tgt_v, grp_v, shuf_v, fused_v, tgo_v, gro_v,
                    vbuf, abuf, tbuf):
    wid = lax.axis_index("s") * NC + lax.axis_index("c")
    base = wid * BPW

    pltpu.sync_copy(idx_hbm, idx_v)
    pltpu.sync_copy(tgt_hbm, tgt_v)
    pltpu.sync_copy(grp_hbm, grp_v)
    pltpu.sync_copy(shuf_hbm.at[pl.ds(base, BPW)], shuf_v)

    @pl.loop(0, BPW, step=L)
    def _(k):
        sh = shuf_v[pl.ds(k, L)]
        f = plsc.load_gather(idx_v, [sh])
        fused_v[pl.ds(k, L)] = f
        tgo_v[pl.ds(k, L)] = plsc.load_gather(tgt_v, [f])
        gro_v[pl.ds(k, L)] = plsc.load_gather(grp_v, [f])

    pltpu.sync_copy(tgo_v, tg_out.at[pl.ds(base, BPW)])
    pltpu.sync_copy(gro_v, gr_out.at[pl.ds(base, BPW)])

    @pl.loop(0, BPW, step=VCHUNK)
    def _(c):
        pltpu.sync_copy(video_hbm.at[fused_v.at[pl.ds(c, VCHUNK)]], vbuf)
        pltpu.sync_copy(vbuf, v_out.at[pl.ds(base + c, VCHUNK)])

    pltpu.sync_copy(audio_hbm.at[fused_v], abuf)
    pltpu.sync_copy(abuf, a_out.at[pl.ds(base, BPW)])

    @pl.loop(0, BPW, step=TCHUNK)
    def _(c):
        pltpu.sync_copy(text_hbm.at[fused_v.at[pl.ds(c, TCHUNK)]], tbuf)
        pltpu.sync_copy(tbuf, t_out.at[pl.ds(base + c, TCHUNK)])


@functools.cache
def _sc_gather_kernel():
    mesh = plsc.VectorSubcoreMesh(core_axis_name="c", subcore_axis_name="s")
    cp = pltpu.CompilerParams()
    if "needs_layout_passes" in pltpu.CompilerParams.__dataclass_fields__:
        cp = dataclasses.replace(cp, needs_layout_passes=False)
    return pl.kernel(
        _sc_gather_body,
        compiler_params=cp,
        out_type=[
        jax.ShapeDtypeStruct((BATCH, 16, 768), jnp.float32),
        jax.ShapeDtypeStruct((BATCH, AD), jnp.float32),
        jax.ShapeDtypeStruct((BATCH, TD), jnp.float32),
        jax.ShapeDtypeStruct((BATCH,), jnp.int32),
        jax.ShapeDtypeStruct((BATCH,), jnp.int32),
    ],
    mesh=mesh,
    scratch_types=[
        pltpu.VMEM((BATCH,), jnp.int32),
        pltpu.VMEM((BATCH,), jnp.int32),
        pltpu.VMEM((BATCH,), jnp.int32),
        pltpu.VMEM((BPW,), jnp.int32),
        pltpu.VMEM((BPW,), jnp.int32),
        pltpu.VMEM((BPW,), jnp.int32),
        pltpu.VMEM((BPW,), jnp.int32),
        pltpu.VMEM((VCHUNK, 16, 768), jnp.float32),
        pltpu.VMEM((BPW, AD), jnp.float32),
        pltpu.VMEM((TCHUNK, TD), jnp.float32),
    ],
)


def kernel(batch_video, batch_audio, batch_text, batch_target, batch_group):
    n_c = batch_group.shape[0]
    counts = jnp.bincount(batch_group, length=NUM_GROUP)
    weights = (counts.astype(jnp.float32) / n_c) ** TAU
    weights = weights / weights.sum()
    logw = jnp.log(weights)
    logit_row = logw[batch_group][None, :]

    key = jax.random.key(42)
    k_mult, k_perm = jax.random.split(key)
    gumbel_field = jax.random.gumbel(k_mult, (BATCH, BATCH), jnp.float32)
    shuffle_idx = jax.random.permutation(k_perm, BATCH).astype(jnp.int32)

    indices = _tc_argmax(gumbel_field, logit_row).reshape(BATCH)

    v, a, t, tg, gr = _sc_gather_kernel()(batch_video, batch_audio, batch_text,
                                          batch_target, batch_group, indices,
                                          shuffle_idx)
    return (v, a, t, tg, gr)

# --- scband reference (transcript-rebuilt; emitter-appended) ---
"""Pipeline reference for scband-base-video-weighted-over-under-sampling-12378095747662 (READ-ONLY COPY).

The authoritative reference and input builder live on the scoring server;
editing this copy changes nothing except your own understanding.
"""

import jax, jax.numpy as jnp
import numpy as np

BATCH = 1024
NUM_GROUP = 2
TAU = 0.2


def setup_inputs(seed: int = 0) -> dict:
    key = jax.random.key(seed)
    k1, k2, k3, k4, k5 = jax.random.split(key, 5)
    return {
        "batch_video": jax.random.normal(k1, (BATCH, 16, 768), dtype=jnp.float32),
        "batch_audio": jax.random.normal(k2, (BATCH, 128), dtype=jnp.float32),
        "batch_text": jax.random.normal(k3, (BATCH, 768), dtype=jnp.float32),
        "batch_target": jax.random.randint(k4, (BATCH,), 0, 1000, dtype=jnp.int32),
        "batch_group": jax.random.randint(k5, (BATCH,), 0, NUM_GROUP, dtype=jnp.int32),
    }


def _cal_weights(batch_group):
    # mirrors BaseVideoWeightedOverUnderSampling._cal_weights
    num_group_others = NUM_GROUP
    n_c = batch_group.shape[0]
    counts = jnp.bincount(batch_group, length=num_group_others)
    weights = (counts.astype(jnp.float32) / n_c) ** TAU
    weights = weights / weights.sum()
    return weights


def reference(batch_video, batch_audio, batch_text, batch_target, batch_group):
    weights_per_group = _cal_weights(batch_group)
    # per-sample weight: weight of the group each sample belongs to (gather)
    weight_tensor = weights_per_group[batch_group]
    key = jax.random.key(42)
    k_mult, k_perm = jax.random.split(key)
    # torch.multinomial(weight_tensor, N, replacement=True) == categorical over log-weights
    logits = jnp.log(weight_tensor)
    indices = jax.random.categorical(k_mult, logits, shape=(batch_group.shape[0],))
    shuffle_idx = jax.random.permutation(k_perm, BATCH)
    video = batch_video[indices][shuffle_idx]
    audio = batch_audio[indices][shuffle_idx]
    text = batch_text[indices][shuffle_idx]
    target = batch_target[indices][shuffle_idx]
    group = batch_group[indices][shuffle_idx]
    return (video, audio, text, target, group)

if __name__ == "__main__":
    import jax
    _d = setup_inputs()
    print(jax.jit(kernel)(*tuple(_d.values())))

</pallas_src>

<mosaic_0001>
#map = affine_map<(d0, d1) -> (0, 0, 0)>
#map1 = affine_map<(d0, d1) -> (0, 0)>
#map2 = affine_map<(d0, d1) -> (0)>
module attributes {stable_mosaic.version = 14 : i64} {
  func.func @_sc_gather_body(%arg0: i32, %arg1: i32, %arg2: memref<1024x16x768xf32, #tpu.memory_space<hbm>>, %arg3: memref<1024x128xf32, #tpu.memory_space<hbm>>, %arg4: memref<1024x768xf32, #tpu.memory_space<hbm>>, %arg5: memref<1024xi32, #tpu.memory_space<hbm>>, %arg6: memref<1024xi32, #tpu.memory_space<hbm>>, %arg7: memref<1024xi32, #tpu.memory_space<hbm>>, %arg8: memref<1024xi32, #tpu.memory_space<hbm>>, %arg9: memref<1024x16x768xf32, #tpu.memory_space<hbm>>, %arg10: memref<1024x128xf32, #tpu.memory_space<hbm>>, %arg11: memref<1024x768xf32, #tpu.memory_space<hbm>>, %arg12: memref<1024xi32, #tpu.memory_space<hbm>>, %arg13: memref<1024xi32, #tpu.memory_space<hbm>>, %arg14: memref<1024xi32, #tpu.memory_space<vmem>>, %arg15: memref<1024xi32, #tpu.memory_space<vmem>>, %arg16: memref<1024xi32, #tpu.memory_space<vmem>>, %arg17: memref<32xi32, #tpu.memory_space<vmem>>, %arg18: memref<32xi32, #tpu.memory_space<vmem>>, %arg19: memref<32xi32, #tpu.memory_space<vmem>>, %arg20: memref<32xi32, #tpu.memory_space<vmem>>, %arg21: memref<8x16x768xf32, #tpu.memory_space<vmem>>, %arg22: memref<32x128xf32, #tpu.memory_space<vmem>>, %arg23: memref<16x768xf32, #tpu.memory_space<vmem>>) attributes {dimension_semantics = [#tpu.dimension_semantics<core_parallel>, #tpu.dimension_semantics<subcore_parallel>], iteration_bounds = array<i64: 2, 16>, scalar_prefetch = 0 : i64, scratch_operands = 10 : i64, tpu.core_type = #tpu.core_type<sc_vector_subcore>, window_params = [{transform_indices = #map}, {transform_indices = #map1}, {transform_indices = #map1}, {transform_indices = #map2}, {transform_indices = #map2}, {transform_indices = #map2}, {transform_indices = #map2}, {transform_indices = #map}, {transform_indices = #map1}, {transform_indices = #map1}, {transform_indices = #map2}, {transform_indices = #map2}]} {
    %mul3A = arith.constant 2 : i32
    %mul3A_0 = arith.muli %arg1, %mul3A : i32
    %add3A = arith.addi %mul3A_0, %arg0 : i32
    %mul3A_1 = arith.constant 32 : i32
    %mul3A_2 = arith.muli %add3A, %mul3A_1 : i32
    "tpu.region"() ({
      %run_scoped3A = tpu.sem_alloc : memref<!tpu.dma_semaphore, #tpu.memory_space<semaphore_mem>>
      tpu.enqueue_dma source(%arg7 : memref<1024xi32, #tpu.memory_space<hbm>>) target(%arg14 : memref<1024xi32, #tpu.memory_space<vmem>>) target_semaphore(%run_scoped3A : memref<!tpu.dma_semaphore, #tpu.memory_space<semaphore_mem>>)
      tpu.wait_dma2 semaphore(%run_scoped3A : memref<!tpu.dma_semaphore, #tpu.memory_space<semaphore_mem>>) src(%arg7 : memref<1024xi32, #tpu.memory_space<hbm>>) dst(%arg14 : memref<1024xi32, #tpu.memory_space<vmem>>)
      tpu.yield
    }) : () -> ()
    "tpu.region"() ({
      %run_scoped3A = tpu.sem_alloc : memref<!tpu.dma_semaphore, #tpu.memory_space<semaphore_mem>>
      tpu.enqueue_dma source(%arg5 : memref<1024xi32, #tpu.memory_space<hbm>>) target(%arg15 : memref<1024xi32, #tpu.memory_space<vmem>>) target_semaphore(%run_scoped3A : memref<!tpu.dma_semaphore, #tpu.memory_space<semaphore_mem>>)
      tpu.wait_dma2 semaphore(%run_scoped3A : memref<!tpu.dma_semaphore, #tpu.memory_space<semaphore_mem>>) src(%arg5 : memref<1024xi32, #tpu.memory_space<hbm>>) dst(%arg15 : memref<1024xi32, #tpu.memory_space<vmem>>)
      tpu.yield
    }) : () -> ()
    "tpu.region"() ({
      %run_scoped3A = tpu.sem_alloc : memref<!tpu.dma_semaphore, #tpu.memory_space<semaphore_mem>>
      tpu.enqueue_dma source(%arg6 : memref<1024xi32, #tpu.memory_space<hbm>>) target(%arg16 : memref<1024xi32, #tpu.memory_space<vmem>>) target_semaphore(%run_scoped3A : memref<!tpu.dma_semaphore, #tpu.memory_space<semaphore_mem>>)
      tpu.wait_dma2 semaphore(%run_scoped3A : memref<!tpu.dma_semaphore, #tpu.memory_space<semaphore_mem>>) src(%arg6 : memref<1024xi32, #tpu.memory_space<hbm>>) dst(%arg16 : memref<1024xi32, #tpu.memory_space<vmem>>)
      tpu.yield
    }) : () -> ()
    "tpu.region"() ({
      %run_scoped3A = tpu.sem_alloc : memref<!tpu.dma_semaphore, #tpu.memory_space<semaphore_mem>>
      %dma_start3A = tpu.memref_slice %arg8[%mul3A_2] : memref<1024xi32, #tpu.memory_space<hbm>> -> memref<32xi32, #tpu.memory_space<hbm>>
      %dma_start3A_17 = tpu.memref_slice %arg8[%mul3A_2] : memref<1024xi32, #tpu.memory_space<hbm>> -> memref<32xi32, #tpu.memory_space<hbm>>
      tpu.enqueue_dma source(%dma_start3A_17 : memref<32xi32, #tpu.memory_space<hbm>>) target(%arg17 : memref<32xi32, #tpu.memory_space<vmem>>) target_semaphore(%run_scoped3A : memref<!tpu.dma_semaphore, #tpu.memory_space<semaphore_mem>>)
      %dma_wait3A = tpu.memref_slice %arg8[%mul3A_2] : memref<1024xi32, #tpu.memory_space<hbm>> -> memref<32xi32, #tpu.memory_space<hbm>>
      %dma_wait3A_18 = tpu.memref_slice %arg8[%mul3A_2] : memref<1024xi32, #tpu.memory_space<hbm>> -> memref<32xi32, #tpu.memory_space<hbm>>
      tpu.wait_dma2 semaphore(%run_scoped3A : memref<!tpu.dma_semaphore, #tpu.memory_space<semaphore_mem>>) src(%dma_wait3A_18 : memref<32xi32, #tpu.memory_space<hbm>>) dst(%arg17 : memref<32xi32, #tpu.memory_space<vmem>>)
      tpu.yield
    }) : () -> ()
    %scan3A = arith.constant 0 : i32
    %scan3A_3 = arith.constant 2 : i32
    %scan3A_4 = arith.addi %scan3A, %scan3A_3 : i32
    %scan3A_5 = arith.constant 1 : i32
    scf.for %scan3A_17 = %scan3A to %scan3A_4 step %scan3A_5  : i32 {
      %mul3A_18 = arith.constant 16 : i32
      %mul3A_19 = arith.muli %scan3A_17, %mul3A_18 : i32
      %add3A_20 = arith.constant 0 : i32
      %add3A_21 = arith.addi %add3A_20, %mul3A_19 : i32
      %get3A = arith.index_cast %add3A_21 : i32 to index
      %get3A_22 = tpu.vector_load %arg17[%get3A] {strides = array<i32>} : memref<32xi32, #tpu.memory_space<vmem>>, vector<16xi32>,
      %gather3A = tpu.vector_load_idx %arg14[%get3A_22] : memref<1024xi32, #tpu.memory_space<vmem>>[vector<16xi32>], vector<16xi32>,
      %swap3A = arith.index_cast %add3A_21 : i32 to index
      %swap3A_23 = tpu.vector_load %arg18[%swap3A] {strides = array<i32>} : memref<32xi32, #tpu.memory_space<vmem>>, vector<16xi32>,
      tpu.vector_store %arg18[%swap3A], %gather3A {strides = array<i32>} : memref<32xi32, #tpu.memory_space<vmem>>, vector<16xi32>,
      %gather3A_24 = tpu.vector_load_idx %arg15[%gather3A] : memref<1024xi32, #tpu.memory_space<vmem>>[vector<16xi32>], vector<16xi32>,
      %swap3A_25 = arith.index_cast %add3A_21 : i32 to index
      %swap3A_26 = tpu.vector_load %arg19[%swap3A_25] {strides = array<i32>} : memref<32xi32, #tpu.memory_space<vmem>>, vector<16xi32>,
      tpu.vector_store %arg19[%swap3A_25], %gather3A_24 {strides = array<i32>} : memref<32xi32, #tpu.memory_space<vmem>>, vector<16xi32>,
      %gather3A_27 = tpu.vector_load_idx %arg16[%gather3A] : memref<1024xi32, #tpu.memory_space<vmem>>[vector<16xi32>], vector<16xi32>,
      %swap3A_28 = arith.index_cast %add3A_21 : i32 to index
      %swap3A_29 = tpu.vector_load %arg20[%swap3A_28] {strides = array<i32>} : memref<32xi32, #tpu.memory_space<vmem>>, vector<16xi32>,
      tpu.vector_store %arg20[%swap3A_28], %gather3A_27 {strides = array<i32>} : memref<32xi32, #tpu.memory_space<vmem>>, vector<16xi32>,
    }
    %scan3A_6 = arith.constant 2 : i32
    "tpu.region"() ({
      %run_scoped3A = tpu.sem_alloc : memref<!tpu.dma_semaphore, #tpu.memory_space<semaphore_mem>>
      %dma_start3A = tpu.memref_slice %arg12[%mul3A_2] : memref<1024xi32, #tpu.memory_space<hbm>> -> memref<32xi32, #tpu.memory_space<hbm>>
      %dma_start3A_17 = tpu.memref_slice %arg12[%mul3A_2] : memref<1024xi32, #tpu.memory_space<hbm>> -> memref<32xi32, #tpu.memory_space<hbm>>
      tpu.enqueue_dma source(%arg19 : memref<32xi32, #tpu.memory_space<vmem>>) target(%dma_start3A_17 : memref<32xi32, #tpu.memory_space<hbm>>) target_semaphore(%run_scoped3A : memref<!tpu.dma_semaphore, #tpu.memory_space<semaphore_mem>>)
      %dma_wait3A = tpu.memref_slice %arg12[%mul3A_2] : memref<1024xi32, #tpu.memory_space<hbm>> -> memref<32xi32, #tpu.memory_space<hbm>>
      %dma_wait3A_18 = tpu.memref_slice %arg12[%mul3A_2] : memref<1024xi32, #tpu.memory_space<hbm>> -> memref<32xi32, #tpu.memory_space<hbm>>
      tpu.wait_dma2 semaphore(%run_scoped3A : memref<!tpu.dma_semaphore, #tpu.memory_space<semaphore_mem>>) src(%arg19 : memref<32xi32, #tpu.memory_space<vmem>>) dst(%dma_wait3A_18 : memref<32xi32, #tpu.memory_space<hbm>>)
      tpu.yield
    }) : () -> ()
    "tpu.region"() ({
      %run_scoped3A = tpu.sem_alloc : memref<!tpu.dma_semaphore, #tpu.memory_space<semaphore_mem>>
      %dma_start3A = tpu.memref_slice %arg13[%mul3A_2] : memref<1024xi32, #tpu.memory_space<hbm>> -> memref<32xi32, #tpu.memory_space<hbm>>
      %dma_start3A_17 = tpu.memref_slice %arg13[%mul3A_2] : memref<1024xi32, #tpu.memory_space<hbm>> -> memref<32xi32, #tpu.memory_space<hbm>>
      tpu.enqueue_dma source(%arg20 : memref<32xi32, #tpu.memory_space<vmem>>) target(%dma_start3A_17 : memref<32xi32, #tpu.memory_space<hbm>>) target_semaphore(%run_scoped3A : memref<!tpu.dma_semaphore, #tpu.memory_space<semaphore_mem>>)
      %dma_wait3A = tpu.memref_slice %arg13[%mul3A_2] : memref<1024xi32, #tpu.memory_space<hbm>> -> memref<32xi32, #tpu.memory_space<hbm>>
      %dma_wait3A_18 = tpu.memref_slice %arg13[%mul3A_2] : memref<1024xi32, #tpu.memory_space<hbm>> -> memref<32xi32, #tpu.memory_space<hbm>>
      tpu.wait_dma2 semaphore(%run_scoped3A : memref<!tpu.dma_semaphore, #tpu.memory_space<semaphore_mem>>) src(%arg20 : memref<32xi32, #tpu.memory_space<vmem>>) dst(%dma_wait3A_18 : memref<32xi32, #tpu.memory_space<hbm>>)
      tpu.yield
    }) : () -> ()
    %scan3A_7 = arith.constant 0 : i32
    %scan3A_8 = arith.constant 4 : i32
    %scan3A_9 = arith.addi %scan3A_7, %scan3A_8 : i32
    %scan3A_10 = arith.constant 1 : i32
    scf.for %scan3A_17 = %scan3A_7 to %scan3A_9 step %scan3A_10  : i32 {
      %mul3A_18 = arith.constant 8 : i32
      %mul3A_19 = arith.muli %scan3A_17, %mul3A_18 : i32
      %add3A_20 = arith.constant 0 : i32
      %add3A_21 = arith.addi %add3A_20, %mul3A_19 : i32
      "tpu.region"() ({
        %run_scoped3A = tpu.sem_alloc : memref<!tpu.dma_semaphore, #tpu.memory_space<semaphore_mem>>
        %dma_start3A = tpu.memref_slice %arg18[%add3A_21] : memref<32xi32, #tpu.memory_space<vmem>> -> memref<8xi32, #tpu.memory_space<vmem>>
        %dma_start3A_23 = arith.constant 0 : i32
        %dma_start3A_24 = arith.constant 0 : i32
        %dma_start3A_25 = arith.constant 0 : i32
        %dma_start3A_26 = tpu.memref_slice %arg2[%dma_start3A_23, %dma_start3A_24, %dma_start3A_25] : memref<1024x16x768xf32, #tpu.memory_space<hbm>> -> memref<1024x16x768xf32, #tpu.memory_space<hbm>>
        tpu.enqueue_indirect_dma source(%dma_start3A_26 : memref<1024x16x768xf32, #tpu.memory_space<hbm>>) target(%arg21 : memref<8x16x768xf32, #tpu.memory_space<vmem>>) offsets(%dma_start3A : memref<8xi32, #tpu.memory_space<vmem>>) semaphore(%run_scoped3A : memref<!tpu.dma_semaphore, #tpu.memory_space<semaphore_mem>>)
        %dma_wait3A = tpu.memref_slice %arg18[%add3A_21] : memref<32xi32, #tpu.memory_space<vmem>> -> memref<8xi32, #tpu.memory_space<vmem>>
        %dma_wait3A_27 = arith.constant 0 : i32
        %dma_wait3A_28 = arith.constant 0 : i32
        %dma_wait3A_29 = arith.constant 0 : i32
        %dma_wait3A_30 = tpu.memref_slice %arg2[%dma_wait3A_27, %dma_wait3A_28, %dma_wait3A_29] : memref<1024x16x768xf32, #tpu.memory_space<hbm>> -> memref<1024x16x768xf32, #tpu.memory_space<hbm>>
        tpu.wait_indirect_dma semaphore(%run_scoped3A : memref<!tpu.dma_semaphore, #tpu.memory_space<semaphore_mem>>) src(%dma_wait3A_30 : memref<1024x16x768xf32, #tpu.memory_space<hbm>>) dst(%arg21 : memref<8x16x768xf32, #tpu.memory_space<vmem>>)
        tpu.yield
      }) : () -> ()
      %add3A_22 = arith.addi %mul3A_2, %add3A_21 : i32
      "tpu.region"() ({
        %run_scoped3A = tpu.sem_alloc : memref<!tpu.dma_semaphore, #tpu.memory_space<semaphore_mem>>
        %dma_start3A = arith.constant 0 : i32
        %dma_start3A_23 = arith.constant 0 : i32
        %dma_start3A_24 = tpu.memref_slice %arg9[%add3A_22, %dma_start3A, %dma_start3A_23] : memref<1024x16x768xf32, #tpu.memory_space<hbm>> -> memref<8x16x768xf32, #tpu.memory_space<hbm>>
        %dma_start3A_25 = arith.constant 0 : i32
        %dma_start3A_26 = arith.constant 0 : i32
        %dma_start3A_27 = tpu.memref_slice %arg9[%add3A_22, %dma_start3A_25, %dma_start3A_26] : memref<1024x16x768xf32, #tpu.memory_space<hbm>> -> memref<8x16x768xf32, #tpu.memory_space<hbm>>
        tpu.enqueue_dma source(%arg21 : memref<8x16x768xf32, #tpu.memory_space<vmem>>) target(%dma_start3A_27 : memref<8x16x768xf32, #tpu.memory_space<hbm>>) target_semaphore(%run_scoped3A : memref<!tpu.dma_semaphore, #tpu.memory_space<semaphore_mem>>)
        %dma_wait3A = arith.constant 0 : i32
        %dma_wait3A_28 = arith.constant 0 : i32
        %dma_wait3A_29 = tpu.memref_slice %arg9[%add3A_22, %dma_wait3A, %dma_wait3A_28] : memref<1024x16x768xf32, #tpu.memory_space<hbm>> -> memref<8x16x768xf32, #tpu.memory_space<hbm>>
        %dma_wait3A_30 = arith.constant 0 : i32
        %dma_wait3A_31 = arith.constant 0 : i32
        %dma_wait3A_32 = tpu.memref_slice %arg9[%add3A_22, %dma_wait3A_30, %dma_wait3A_31] : memref<1024x16x768xf32, #tpu.memory_space<hbm>> -> memref<8x16x768xf32, #tpu.memory_space<hbm>>
        tpu.wait_dma2 semaphore(%run_scoped3A : memref<!tpu.dma_semaphore, #tpu.memory_space<semaphore_mem>>) src(%arg21 : memref<8x16x768xf32, #tpu.memory_space<vmem>>) dst(%dma_wait3A_32 : memref<8x16x768xf32, #tpu.memory_space<hbm>>)
        tpu.yield
      }) : () -> ()
    }
    %scan3A_11 = arith.constant 4 : i32
    "tpu.region"() ({
      %run_scoped3A = tpu.sem_alloc : memref<!tpu.dma_semaphore, #tpu.memory_space<semaphore_mem>>
      %dma_start3A = arith.constant 0 : i32
      %dma_start3A_17 = arith.constant 0 : i32
      %dma_start3A_18 = tpu.memref_slice %arg3[%dma_start3A, %dma_start3A_17] : memref<1024x128xf32, #tpu.memory_space<hbm>> -> memref<1024x128xf32, #tpu.memory_space<hbm>>
      tpu.enqueue_indirect_dma source(%dma_start3A_18 : memref<1024x128xf32, #tpu.memory_space<hbm>>) target(%arg22 : memref<32x128xf32, #tpu.memory_space<vmem>>) offsets(%arg18 : memref<32xi32, #tpu.memory_space<vmem>>) semaphore(%run_scoped3A : memref<!tpu.dma_semaphore, #tpu.memory_space<semaphore_mem>>)
      %dma_wait3A = arith.constant 0 : i32
      %dma_wait3A_19 = arith.constant 0 : i32
      %dma_wait3A_20 = tpu.memref_slice %arg3[%dma_wait3A, %dma_wait3A_19] : memref<1024x128xf32, #tpu.memory_space<hbm>> -> memref<1024x128xf32, #tpu.memory_space<hbm>>
      tpu.wait_indirect_dma semaphore(%run_scoped3A : memref<!tpu.dma_semaphore, #tpu.memory_space<semaphore_mem>>) src(%dma_wait3A_20 : memref<1024x128xf32, #tpu.memory_space<hbm>>) dst(%arg22 : memref<32x128xf32, #tpu.memory_space<vmem>>)
      tpu.yield
    }) : () -> ()
    "tpu.region"() ({
      %run_scoped3A = tpu.sem_alloc : memref<!tpu.dma_semaphore, #tpu.memory_space<semaphore_mem>>
      %dma_start3A = arith.constant 0 : i32
      %dma_start3A_17 = tpu.memref_slice %arg10[%mul3A_2, %dma_start3A] : memref<1024x128xf32, #tpu.memory_space<hbm>> -> memref<32x128xf32, #tpu.memory_space<hbm>>
      %dma_start3A_18 = arith.constant 0 : i32
      %dma_start3A_19 = tpu.memref_slice %arg10[%mul3A_2, %dma_start3A_18] : memref<1024x128xf32, #tpu.memory_space<hbm>> -> memref<32x128xf32, #tpu.memory_space<hbm>>
      tpu.enqueue_dma source(%arg22 : memref<32x128xf32, #tpu.memory_space<vmem>>) target(%dma_start3A_19 : memref<32x128xf32, #tpu.memory_space<hbm>>) target_semaphore(%run_scoped3A : memref<!tpu.dma_semaphore, #tpu.memory_space<semaphore_mem>>)
      %dma_wait3A = arith.constant 0 : i32
      %dma_wait3A_20 = tpu.memref_slice %arg10[%mul3A_2, %dma_wait3A] : memref<1024x128xf32, #tpu.memory_space<hbm>> -> memref<32x128xf32, #tpu.memory_space<hbm>>
      %dma_wait3A_21 = arith.constant 0 : i32
      %dma_wait3A_22 = tpu.memref_slice %arg10[%mul3A_2, %dma_wait3A_21] : memref<1024x128xf32, #tpu.memory_space<hbm>> -> memref<32x128xf32, #tpu.memory_space<hbm>>
      tpu.wait_dma2 semaphore(%run_scoped3A : memref<!tpu.dma_semaphore, #tpu.memory_space<semaphore_mem>>) src(%arg22 : memref<32x128xf32, #tpu.memory_space<vmem>>) dst(%dma_wait3A_22 : memref<32x128xf32, #tpu.memory_space<hbm>>)
      tpu.yield
    }) : () -> ()
    %scan3A_12 = arith.constant 0 : i32
    %scan3A_13 = arith.constant 2 : i32
    %scan3A_14 = arith.addi %scan3A_12, %scan3A_13 : i32
    %scan3A_15 = arith.constant 1 : i32
    scf.for %scan3A_17 = %scan3A_12 to %scan3A_14 step %scan3A_15  : i32 {
      %mul3A_18 = arith.constant 16 : i32
      %mul3A_19 = arith.muli %scan3A_17, %mul3A_18 : i32
      %add3A_20 = arith.constant 0 : i32
      %add3A_21 = arith.addi %add3A_20, %mul3A_19 : i32
      "tpu.region"() ({
        %run_scoped3A = tpu.sem_alloc : memref<!tpu.dma_semaphore, #tpu.memory_space<semaphore_mem>>
        %dma_start3A = tpu.memref_slice %arg18[%add3A_21] : memref<32xi32, #tpu.memory_space<vmem>> -> memref<16xi32, #tpu.memory_space<vmem>>
        %dma_start3A_23 = arith.constant 0 : i32
        %dma_start3A_24 = arith.constant 0 : i32
        %dma_start3A_25 = tpu.memref_slice %arg4[%dma_start3A_23, %dma_start3A_24] : memref<1024x768xf32, #tpu.memory_space<hbm>> -> memref<1024x768xf32, #tpu.memory_space<hbm>>
        tpu.enqueue_indirect_dma source(%dma_start3A_25 : memref<1024x768xf32, #tpu.memory_space<hbm>>) target(%arg23 : memref<16x768xf32, #tpu.memory_space<vmem>>) offsets(%dma_start3A : memref<16xi32, #tpu.memory_space<vmem>>) semaphore(%run_scoped3A : memref<!tpu.dma_semaphore, #tpu.memory_space<semaphore_mem>>)
        %dma_wait3A = tpu.memref_slice %arg18[%add3A_21] : memref<32xi32, #tpu.memory_space<vmem>> -> memref<16xi32, #tpu.memory_space<vmem>>
        %dma_wait3A_26 = arith.constant 0 : i32
        %dma_wait3A_27 = arith.constant 0 : i32
        %dma_wait3A_28 = tpu.memref_slice %arg4[%dma_wait3A_26, %dma_wait3A_27] : memref<1024x768xf32, #tpu.memory_space<hbm>> -> memref<1024x768xf32, #tpu.memory_space<hbm>>
        tpu.wait_indirect_dma semaphore(%run_scoped3A : memref<!tpu.dma_semaphore, #tpu.memory_space<semaphore_mem>>) src(%dma_wait3A_28 : memref<1024x768xf32, #tpu.memory_space<hbm>>) dst(%arg23 : memref<16x768xf32, #tpu.memory_space<vmem>>)
        tpu.yield
      }) : () -> ()
      %add3A_22 = arith.addi %mul3A_2, %add3A_21 : i32
      "tpu.region"() ({
        %run_scoped3A = tpu.sem_alloc : memref<!tpu.dma_semaphore, #tpu.memory_space<semaphore_mem>>
        %dma_start3A = arith.constant 0 : i32
        %dma_start3A_23 = tpu.memref_slice %arg11[%add3A_22, %dma_start3A] : memref<1024x768xf32, #tpu.memory_space<hbm>> -> memref<16x768xf32, #tpu.memory_space<hbm>>
        %dma_start3A_24 = arith.constant 0 : i32
        %dma_start3A_25 = tpu.memref_slice %arg11[%add3A_22, %dma_start3A_24] : memref<1024x768xf32, #tpu.memory_space<hbm>> -> memref<16x768xf32, #tpu.memory_space<hbm>>
        tpu.enqueue_dma source(%arg23 : memref<16x768xf32, #tpu.memory_space<vmem>>) target(%dma_start3A_25 : memref<16x768xf32, #tpu.memory_space<hbm>>) target_semaphore(%run_scoped3A : memref<!tpu.dma_semaphore, #tpu.memory_space<semaphore_mem>>)
        %dma_wait3A = arith.constant 0 : i32
        %dma_wait3A_26 = tpu.memref_slice %arg11[%add3A_22, %dma_wait3A] : memref<1024x768xf32, #tpu.memory_space<hbm>> -> memref<16x768xf32, #tpu.memory_space<hbm>>
        %dma_wait3A_27 = arith.constant 0 : i32
        %dma_wait3A_28 = tpu.memref_slice %arg11[%add3A_22, %dma_wait3A_27] : memref<1024x768xf32, #tpu.memory_space<hbm>> -> memref<16x768xf32, #tpu.memory_space<hbm>>
        tpu.wait_dma2 semaphore(%run_scoped3A : memref<!tpu.dma_semaphore, #tpu.memory_space<semaphore_mem>>) src(%arg23 : memref<16x768xf32, #tpu.memory_space<vmem>>) dst(%dma_wait3A_28 : memref<16x768xf32, #tpu.memory_space<hbm>>)
        tpu.yield
      }) : () -> ()
    }
    %scan3A_16 = arith.constant 2 : i32
    return
  }
}

module attributes {stable_mosaic.version = 14 : i64} {
  func.func @_argmax_body(%arg0: memref<1024x1024xf32, #tpu.memory_space<vmem>>, %arg1: memref<1x1024xf32, #tpu.memory_space<vmem>>, %arg2: memref<1024x1xi32, #tpu.memory_space<vmem>>) attributes {dimension_semantics = [], scalar_prefetch = 0 : i64, scratch_operands = 0 : i64, tpu.core_type = #tpu.core_type<tc>} {
    %get3A = arith.constant 0 : index
    %get3A_0 = arith.constant 0 : index
    %get3A_1 = vector.load %arg0[%get3A, %get3A_0] : memref<1024x1024xf32, #tpu.memory_space<vmem>>, vector<1024x1024xf32>
    %get3A_2 = arith.constant 0 : index
    %get3A_3 = arith.constant 0 : index
    %get3A_4 = vector.load %arg1[%get3A_2, %get3A_3] : memref<1x1024xf32, #tpu.memory_space<vmem>>, vector<1x1024xf32>
    %add3A = vector.broadcast %get3A_4 : vector<1x1024xf32> to vector<1024x1024xf32>
    %add3A_5 = arith.addf %get3A_1, %add3A : vector<1024x1024xf32>
    %reduce_max3A = arith.constant dense<0xFF800000> : vector<1024xf32>
    %reduce_max3A_6 = vector.multi_reduction <maximumf>, %add3A_5, %reduce_max3A [1] : vector<1024x1024xf32> to vector<1024xf32>
    %broadcast_in_dim3A = vector.shape_cast %reduce_max3A_6 : vector<1024xf32> to vector<1024x1xf32>
    %iota3A = tpu.iota {dimensions = array<i32: 1>} : vector<1024x1024xi32>
    %eq3A = vector.broadcast %broadcast_in_dim3A : vector<1024x1xf32> to vector<1024x1024xf32>
    %eq3A_7 = arith.cmpf oeq, %add3A_5, %eq3A : vector<1024x1024xf32>
    %jit3A = arith.constant 1024 : i32
    %broadcast_in_dim3A_8 = vector.broadcast %jit3A : i32 to vector<1024x1024xi32>
    %select_n3A = arith.select %eq3A_7, %iota3A, %broadcast_in_dim3A_8 : vector<1024x1024xi1>, vector<1024x1024xi32>
    %reduce_min3A = arith.constant dense<2147483647> : vector<1024xi32>
    %reduce_min3A_9 = vector.multi_reduction <minsi>, %select_n3A, %reduce_min3A [1] : vector<1024x1024xi32> to vector<1024xi32>
    %broadcast_in_dim3A_10 = vector.shape_cast %reduce_min3A_9 : vector<1024xi32> to vector<1024x1xi32>
    %swap3A = arith.constant 0 : index
    %swap3A_11 = arith.constant 0 : index
    %swap3A_12 = vector.load %arg2[%swap3A, %swap3A_11] : memref<1024x1xi32, #tpu.memory_space<vmem>>, vector<1024x1xi32>
    tpu.vector_store %arg2[%swap3A, %swap3A_11], %broadcast_in_dim3A_10 {strides = array<i32>} : memref<1024x1xi32, #tpu.memory_space<vmem>>, vector<1024x1xi32>,
    return
  }
}

</mosaic_0001>

<sc_bundles>
// kernel: kernel.4.cloned.1.call-start
scs
__scs_entry_jumppad:
0x0: {  	(pc) =	sbr.rel $0x88, $3  }
0x1: {  	(tag) =	ssettag $0x0;
	lr =	simm.s32 $0x1  }
0x2: {  	[smem:$0x3F9C] =	sst lr;
	_ =	strace $0xD0000000  }
0x3: {  	_ = 	snop  }
0x4: {  	_ = 	snop  }
0x5: {  	_ = 	snop  }
0x6: {  	_ = 	snop  }
0x7: {  	_ = 	snop  }
__scs_overlays_trampoline_lowered:
0x8: {  	[smem:$0x3FAB] =	sst s0  }
0x9: {  	[smem:$0x3FAC] =	sst s1  }
0xa: {  	[smem:$0x3FAD] =	sst s2  }
0xb: {  	[smem:$0x3FAE] =	sst s3  }
0xc: {  	[smem:$0x3FAF] =	sst s4  }
0xd: {  	[smem:$0x3FB0] =	sst s5  }
0xe: {  	[smem:$0x3FB1] =	sst s6  }
0xf: {  	[smem:$0x3FB2] =	sst s7  }
0x10: {  	[smem:$0x3FB3] =	sst s8  }
0x11: {  	[smem:$0x3FB4] =	sst s9;
	s0 =	simm.s32 @!p0 $0x0  }
0x12: {  	s1 =	sld [smem:$0x3F9A];
	s0 =	simm.s32 @p0 $0x1  }
0x13: {  	[smem:$0x3FB5] =	sst s0;
	s0 =	simm.s32 @!p1 $0x0  }
0x14: {  	s2 =	sld [smem:$0x3F99];
	s0 =	simm.s32 @p1 $0x1  }
0x15: {  	[smem:$0x3FB6] =	sst s0;
	s0 =	simm.s32 @!p2 $0x0  }
0x16: {  	s3 =	sld [smem:$0x3FDB];
	s0 =	simm.s32 @p2 $0x1  }
0x17: {  	s4 =	simm.s32 $0x1BF5;
	[smem:$0x3FB8] =	sst s0  }
0x18: {  	s0 =	sld [smem:$0x3F9B];
	_ =	swait.ge [sflag:s4], $0x0  }
0x19: {  	s7 =	sld [smem:$0x3F9C]  }
0x1a: {  	s8 =	sadd.s32 $0xFFFFE003, lr  }
0x1b: {  	s9 =	sadd.s32 $0xFFFFFEF7, lr;
	s5 =	simm.s32 $0xFFFFFFFF;
	p2 =	slt.u32 s8, $0xFFFFF086  }
0x1c: {  	p1 =	slt.u32 s9, $0xF7A;
	s5 =	simm.s32 @!p2 $0x0  }
0x1d: {  	s5 =	simm.s32 @p1 $0x1;
	p0 =	seq.s32 s7, s2  }
0x1e: {  	s7 =	smul.u32 @!p0 $0xF7A, s2;
	p2 =	seq.s32 @!p0 s5, $0x0  }
0x1f: {  	s9 =	smul.u32 $0xF7A, s1;
	s8 =	simm.s32 @!p0 $0x1BF5;
	p2 =	por !p2, p0  }
0x20: {  	[sflag:s8] =	ssyncset.s32 @!p0 $0xFFFFF086;
	s6 =	sadd.s32 @!p0 s3, s7;
	s7 =	simm.s32 @!p0 $0x108  }
0x21: {  	s3 =	sadd.s32 s3, s9;
	s6 =	sadd.s32 @!p0 $0x88, s6;
	s7 =	simm.s32 @p2 $0x1082  }
0x22: {  	[simem:s7], [sflag:s8] =	dma.local @!p0 [hbm:s6], $0xF7A  }
0x23: {  	s9 =	sor.u32 $0xD0000000, s2;
	s6 =	simm.s32 $0x108;
	_ =	swait.ge @!p0 [sflag:s8], $0x0  }
0x24: {  	s3 =	sadd.s32 $0x88, s3;
	s6 =	simm.s32 @!p1 $0x1082;
	[sflag:s4] =	ssyncset.s32 $0xFFFFF086  }
0x25: {  	[simem:s6], [sflag:s4] =	dma.local [hbm:s3], $0xF7A  }
0x26: {  	[smem:$0x3F9C] =	sst s1;
	(tag) =	ssettag s2;
	_ =	strace s9  }
0x27: {  	s1 =	sld [smem:$0x3FAC]  }
0x28: {  	s2 =	sld [smem:$0x3FAD]  }
0x29: {  	s4 =	sld [smem:$0x3FAF]  }
0x2a: {  	p0 =	seq.s32 s5, $0x0;
	s5 =	sld [smem:$0x3FB0]  }
0x2b: {  	s6 =	sld [smem:$0x3FB1]  }
0x2c: {  	s7 =	sld [smem:$0x3FB2]  }
0x2d: {  	s3 =	simm.s32 $0x108;
	s8 =	sld [smem:$0x3FB3]  }
0x2e: {  	s3 =	simm.s32 @!p0 $0x1082;
	s9 =	sld [smem:$0x3FB4]  }
0x2f: {  	lr =	sadd.s32 s0, s3;
	s0 =	sld [smem:$0x3FAB]  }
0x30: {  	s3 =	sld [smem:$0x3FAE]  }
0x31: {  	[smem:$0x3FB7] =	sst s10  }
0x32: {  	s10 =	sld [smem:$0x3FB5];
	_ =	sdelay $0x3  }
0x33: {  	p0 =	seq.s32 s10, $0x1;
	s10 =	sld [smem:$0x3FB7];
	_ =	sdelay $0x3  }
0x34: {  	[smem:$0x3FB7] =	sst s10  }
0x35: {  	s10 =	sld [smem:$0x3FB6];
	_ =	sdelay $0x3  }
0x36: {  	p1 =	seq.s32 s10, $0x1;
	s10 =	sld [smem:$0x3FB7];
	_ =	sdelay $0x3  }
0x37: {  	[smem:$0x3FB7] =	sst s10  }
0x38: {  	s10 =	sld [smem:$0x3FB8]  }
0x39: {  	_ = 	snop;
	(pc) =	sbr.ind lr, $3  }
0x3a: {  	_ = 	snop  }
0x3b: {  	_ = 	snop  }
0x3c: {  	p2 =	seq.s32 s10, $0x1;
	s10 =	sld [smem:$0x3FB7]  }
0x3d: {  	_ =	shalt  }
0x3e: {  	_ =	shalt  }
0x3f: {  	_ =	shalt  }
0x40: {  	_ =	shalt  }
0x41: {  	_ =	shalt  }
0x42: {  	_ =	shalt  }
0x43: {  	_ =	shalt  }
0x44: {  	_ =	shalt  }
0x45: {  	_ =	shalt  }
0x46: {  	_ =	shalt  }
0x47: {  	_ =	shalt  }
0x48: {  	_ =	shalt  }
0x49: {  	_ =	shalt  }
0x4a: {  	_ =	shalt  }
0x4b: {  	_ =	shalt  }
0x4c: {  	_ =	shalt  }
0x4d: {  	_ =	shalt  }
0x4e: {  	_ =	shalt  }
0x4f: {  	_ =	shalt  }
0x50: {  	_ =	shalt  }
0x51: {  	_ =	shalt  }
0x52: {  	_ =	shalt  }
0x53: {  	_ =	shalt  }
0x54: {  	_ =	shalt  }
0x55: {  	_ =	shalt  }
0x56: {  	_ =	shalt  }
0x57: {  	_ =	shalt  }
0x58: {  	_ =	shalt  }
0x59: {  	_ =	shalt  }
0x5a: {  	_ =	shalt  }
0x5b: {  	_ =	shalt  }
0x5c: {  	_ =	shalt  }
0x5d: {  	_ =	shalt  }
0x5e: {  	_ =	shalt  }
0x5f: {  	_ =	shalt  }
0x60: {  	_ =	shalt  }
0x61: {  	_ =	shalt  }
0x62: {  	_ =	shalt  }
0x63: {  	_ =	shalt  }
0x64: {  	_ =	shalt  }
0x65: {  	_ =	shalt  }
0x66: {  	_ =	shalt  }
0x67: {  	_ =	shalt  }
0x68: {  	_ =	shalt  }
0x69: {  	_ =	shalt  }
0x6a: {  	_ =	shalt  }
0x6b: {  	_ =	shalt  }
0x6c: {  	_ =	shalt  }
0x6d: {  	_ =	shalt  }
0x6e: {  	_ =	shalt  }
0x6f: {  	_ =	shalt  }
0x70: {  	_ =	shalt  }
0x71: {  	_ =	shalt  }
0x72: {  	_ =	shalt  }
0x73: {  	_ =	shalt  }
0x74: {  	_ =	shalt  }
0x75: {  	_ =	shalt  }
0x76: {  	_ =	shalt  }
0x77: {  	_ =	shalt  }
0x78: {  	_ =	shalt  }
0x79: {  	_ =	shalt  }
0x7a: {  	_ =	shalt  }
0x7b: {  	_ =	shalt  }
0x7c: {  	_ =	shalt  }
0x7d: {  	_ =	shalt  }
0x7e: {  	_ =	shalt  }
0x7f: {  	_ =	shalt  }
0x80: {  	_ =	shalt  }
0x81: {  	_ =	shalt  }
0x82: {  	_ =	shalt  }
0x83: {  	_ =	shalt  }
0x84: {  	_ =	shalt  }
0x85: {  	_ =	shalt  }
0x86: {  	_ =	shalt  }
0x87: {  	_ =	shalt  }
.Lfunc_end0:
.L_simem_size_0:
called_computation.1_lowered:
.L_overlay_start_0:
0x88: {  	s2 =	sld [smem:$0x3FD9]  }
0x89: {  	s3 =	sld [smem:$0x3FFE];
	_ =	sdelay $0x1  }
0x8a: {  	s1 =	srdreg.scid  }
0x8b: {  	s0 =	sand.u32 $0x1, s1  }
0x8c: {  	s30 =	sshll.u32 s0, $0xA;
	s2 =	sadd.s32 s3, s2  }
0x8d: {  	s2 =	sadd.s32 s2, s30  }
0x8e: {  	[smem:$0x3FC3] =	sst s2  }
0x8f: {  	_ = 	snop  }
0x90: {  	s2 =	sld [smem:$0x3FC9]  }
0x91: {  	s31 =	sld [smem:$0x3FC8]  }
0x92: {  	s4 =	sld [smem:$0x3FD0]  }
0x93: {  	s5 =	sld [smem:$0x3FC7]  }
0x94: {  	s6 =	sld [smem:$0x3FC6]  }
0x95: {  	s8 =	simm.s32 $0xA;
	s9 =	simm.s32 $0x10;
	s7 =	sld [smem:$0x3FC5]  }
0x96: {  	[smem:s9], [sflag:s8] =	dma.local [hbm:s4], $0x1  }
0x97: {  	_ =	swait.eq [sflag:s8], $0x1  }
0x98: {  	s9 =	sld [smem:$0x10]  }
0x99: {  	s17 =	sld [smem:$0x11]  }
0x9a: {  	s10 =	sld [smem:$0x12];
	[sflag:s8] =	ssyncset.done $0x0  }
0x9b: {  	s11 =	sld [smem:$0x13];
	[sflag:s8] =	ssyncadd.s32 $0xFFFFFFFF  }
0x9c: {  	s18 =	sld [smem:$0x14];
	(tm) =	ssettm $0x1  }
0x9d: {  	s12 =	sld [smem:$0x3FFB];
	_ =	sdelay $0x3  }
0x9e: {  	_ =	strace s12  }
0x9f: {  	s12 =	sld [smem:$0x3FFC];
	_ =	sdelay $0x3  }
0xa0: {  	_ =	strace s12  }
0xa1: {  	s12 =	sld [smem:$0x3FFD];
	_ =	sdelay $0x3  }
0xa2: {  	_ =	strace s12  }
0xa3: {  	_ =	strace $0x8FFFFFFF  }
0xa4: {  	s19 =	sld [smem:$0x3FDB];
	_ =	sdelay $0x1  }
0xa5: {  	s13 =	simm.s32 $_scs_section_size  }
0xa6: {  	s14 =	simm.s32 $_size__tile_overlayer_lowered;
	s15 =	simm.s32 $_tile_overlayer_lowered  }
0xa7: {  	s22 =	simm.s32 $0x1BFF;
	s21 =	sshll.u32 s15, $0x1;
	s12 =	sadd.s32 s13, s19  }
0xa8: {  	s16 =	simm.s32 $0x0;
	s20 =	sshll.u32 s14, $0x1;
	s14 =	sadd.s32 s21, s12  }
0xa9: {  	[timem:s16], [sflag:s22] =	dma.local [hbm:s14], s20  }
0xaa: {  	_ =	swait.ge [sflag:s22], s20  }
0xab: {  	s13 =	ssub.s32 $0x0, s20;
	[sflag:s22] =	ssyncset.done $0x0  }
0xac: {  	[sflag:s22] =	ssyncadd.s32 s13;
	_ =	sdelay $0x1  }
0xad: {  	s23 =	simm.s32 $0x1B8B  }
0xae: {  	_ =	swait.ge [sflag:s23], $0x1  }
0xaf: {  	[sflag:s23] =	ssyncset.done $0x0  }
0xb0: {  	s25 =	simm.s32 $0x1B8E;
	s24 =	sld [smem:$0x3FFE];
	[sflag:s23] =	ssyncadd.s32 $0xFFFFFFFF  }
0xb1: {  	s26 =	simm.s32 $execute0_lowered;
	[smem:$0x3FD2] =	sst s25  }
0xb2: {  	s14 =	sshll.u32 s26, $0x1;
	_ =	strace $0x80000049;
	[dreg:$0x1] =	wrdreg $0xFFFFFFFF  }
0xb3: {  	s28 =	simm.s32 $_size_execute0_lowered;
	s12 =	sadd.s32 s12, s14;
	[dreg:$0x0] =	wrdreg $0x0  }
0xb4: {  	s14 =	sshll.u32 s28, $0x1;
	[dreg:$0x2] =	wrdreg s12  }
0xb5: {  	[dreg:$0x3] =	wrdreg s14  }
0xb6: {  	[dreg:$0x4] =	wrdreg $0xC0  }
0xb7: {  	_ =	task [dreg:s16], $0x5FFFF  }
0xb8: {  	[dreg:$0x1] =	wrdreg $0xFFFFFFFF  }
0xb9: {  	[dreg:$0x0] =	wrdreg $0x60  }
0xba: {  	[dreg:$0x2] =	wrdreg s2  }
0xbb: {  	[dreg:$0x3] =	wrdreg s31  }
0xbc: {  	[dreg:$0x4] =	wrdreg s5  }
0xbd: {  	[dreg:$0x5] =	wrdreg s6  }
0xbe: {  	[dreg:$0x6] =	wrdreg s7  }
0xbf: {  	[dreg:$0x7] =	wrdreg s24  }
0xc0: {  	[dreg:$0x8] =	wrdreg s9  }
0xc1: {  	[dreg:$0x9] =	wrdreg s17  }
0xc2: {  	[dreg:$0xa] =	wrdreg s10  }
0xc3: {  	[dreg:$0xb] =	wrdreg s11  }
0xc4: {  	[dreg:$0xc] =	wrdreg s18  }
0xc5: {  	[dreg:$0xd] =	wrdreg $0x9  }
0xc6: {  	_ =	task.clear_ibuf [dreg:s16], $0xEFFFF;
	_ =	strace $0x90000049  }
0xc7: {  	s29 =	simm.s32 $0x9;
	_ =	strace $0x8000004B  }
0xc8: {  	_ =	swait.ge [sflag:s29], $0x1  }
0xc9: {  	[sflag:s29] =	ssyncadd.s32 $0xFFFFFFFF  }
0xca: {  	_ =	strace $0x9000004B  }
0xcb: {  	_ =	sfence  }
0xcc: {  	s30 =	sld [smem:$0x0];
	_ =	sdelay $0x2  }
0xcd: {  	s31 =	sshll.u32 s1, $0xD;
	s1 =	sshrl.u32 s1, $0x2  }
0xce: {  	s3 =	sand.u32 $0x4000, s31;
	s1 =	sadd.s32 s1, s30  }
0xcf: {  	s0 =	sor.u32 s3, s0;
	s1 =	sshll.u32 s1, $0x11  }
0xd0: {  	s0 =	sor.u32 s1, s0  }
0xd1: {  	s0 =	sadd.s32 $0x8F2B, s0  }
0xd2: {  	[sflag:s0] =	ssyncadd.remote.s32 $0x1  }
0xd3: {  	_ =	sfence.sel $0xFFFF  }
0xd4: {  	[dreg:$0x0] =	wrdreg $0xFFFFFFFF;
	(pc) =	sbr.abs _section_cstart, $3  }
0xd5: {  	[dreg:$0x1] =	wrdreg $0xFFFFFFFF  }
0xd6: {  	_ =	task.clear_ibuf [dreg:s16], $0x2FFFF;
	_ =	strace $0x9FFFFFFF  }
0xd7: {  	(tm) =	ssettm $0x7FFFFFFF  }
tec
execute0_lowered:
.L_overlay_start_1:
0x0: {  	(tag) =	ssettag $0x1  }
0x1: {  	s0 =	rddreg [dreg:$0x0]  }
0x2: {  	s2 =	rddreg [dreg:$0x2]  }
0x3: {  	s1 =	rddreg [dreg:$0x5]  }
0x4: {  	s3 =	rddreg [dreg:$0x6]  }
0x5: {  	s4 =	rddreg [dreg:$0x7]  }
0x6: {  	s5 =	rddreg [dreg:$0x8]  }
0x7: {  	s6 =	rddreg [dreg:$0x9]  }
0x8: {  	s11 =	rddreg [dreg:$0xa];
	s8 =	srdreg.scid;
	s7 =	simm.s32 $0x0  }
0x9: {  	s14 =	stileid.u32;
	s19 =	simm.s32 $0x1;
	s20 =	simm.s32 $0x400  }
0xa: {  	s21 =	simm.s32 $0x800;
	s29 =	simm.s32 $0x18E00;
	s30 =	simm.s32 $0x19E00  }
0xb: {  	s31 =	simm.s32 $0x1A600;
	s16 =	sand.u32 $0x1, s8;
	[smem:$0x7FF] =	sst s7  }
0xc: {  	s22 =	sshll.u32 s14, $0x6;
	s8 =	sadd.s32 $0x200, s1;
	s26 =	smul.u32 $0x18000, s14  }
0xd: {  	s14 =	sadd.s32 $0x200, s2;
	s9 =	sshll.u32 s16, $0x5;
	s10 =	ssub.s32 $0x2, s16  }
0xe: {  	_ =	strace $0x8000004A;
	s12 =	sor.u32 s9, s22;
	s23 =	sshrl.u32 s10, $0x1  }
0xf: {  	s28 =	smul.u32 $0xC000, s16;
	s13 =	sshrl.u32 s12, $0x3;
	s17 =	ssub.s32 s10, s23  }
0x10: {  	s24 =	sshll.u32 s12, $0x4;
	s9 =	sadd.s32 s1, s13;
	s10 =	sadd.s32 s6, s13  }
0x11: {  	s11 =	sadd.s32 s11, s13;
	s25 =	smul.u32 $0x300, s13;
	s12 =	sadd.s32 s4, s24  }
0x12: {  	s13 =	sadd.s32 $0x100, s2;
	s16 =	smax.u32 s17, $0x1;
	s1 =	sadd.s32 s26, s3  }
0x13: {  	v0 =	vlaneseq.u32;
	s6 =	simm.s32 $0x1B600;
	s3 =	simm.s32 $0x1C600;
	s4 =	simm.s32 $0x0  }
0x14: {  	vm0 =	vmmov $0xff;
	vm1 =	vmmov $0xffff;
	v2 =	vshrl.u32 v0, $0x3;
	s18 =	sadd.s32 s28, s1;
	s1 =	simm.s32 $0x1BE00;
	s15 =	sadd.s32 s5, s25  }
0x15: {  	v1 =	vand.u32 $0x7, v0;
	v3 =	vor.u32 $0x8, v0;
	v2 =	vmul.u32 $0x8, v2;
	s25 =	simm.s32 $0xE00;
	s5 =	simm.s32 $0x1AE00;
	s17 =	sadd.s32 $0x600, s15  }
.LBB2_1:
0x16: {  	[tilespmem:s7], [sflag:$0x1] =	stream.linear.gather [hbm4b:s8+s7], $0x400, $0x38;
	[tilespmem:$0x1CE00] =	vst v63  }
0x17: {  	_ =	swait.ge [sflag:s19], $0x400  }
0x18: {  	[sflag:s19] =	ssyncset.done $0x0  }
0x19: {  	[sflag:s19] =	ssyncadd.s32 $0xFFFFFC00  }
0x1a: {  	s22 =	rddreg [dreg:$0x3]  }
0x1b: {  	[tilespmem:s20], [sflag:$0x1] =	stream.linear.gather [hbm4b:s22+s7], $0x400, $0x38;
	[tilespmem:$0x1CE00] =	vst v63  }
0x1c: {  	_ =	swait.ge [sflag:s19], $0x400  }
0x1d: {  	[sflag:s19] =	ssyncset.done $0x0  }
0x1e: {  	[sflag:s19] =	ssyncadd.s32 $0xFFFFFC00  }
0x1f: {  	s28 =	rddreg [dreg:$0x4]  }
0x20: {  	[tilespmem:s21], [sflag:$0x1] =	stream.linear.gather [hbm4b:s28+s7], $0x400, $0x38;
	[tilespmem:$0x1CE00] =	vst v63  }
0x21: {  	_ =	swait.ge [sflag:s19], $0x400  }
0x22: {  	[sflag:s19] =	ssyncset.done $0x0  }
0x23: {  	s23 =	simm.s32 $0xC00;
	[sflag:s19] =	ssyncadd.s32 $0xFFFFFC00  }
0x24: {  	[tilespmem:s23], [sflag:$0x1] =	stream.linear.gather [hbm4b:s9+s7], $0x20, $0x38;
	[tilespmem:$0x1CE00] =	vst v63  }
0x25: {  	_ =	swait.ge [sflag:s19], $0x20  }
0x26: {  	[sflag:s19] =	ssyncset.done $0x0  }
0x27: {  	[sflag:s19] =	ssyncadd.s32 $0xFFFFFFE0  }
0x28: {  	v4 =	vld [tilespmem:$0xC00];
	_ =	sdelay $0x7  }
0x29: {  	v4 =	vld.idx.msk [tilespmem:v4+s7+$0x0], $0xffff;
	_ =	sdelay $0x6  }
0x2a: {  	[tilespmem:$0xC80] =	vst v4  }
0x2b: {  	v5 =	vld.idx.msk [tilespmem:v4+s20+$0x0], $0xffff;
	_ =	sdelay $0x3  }
0x2c: {  	v6 =	vld [tilespmem:$0xC10]  }
0x2d: {  	[tilespmem:$0xD00] =	vst v5  }
0x2e: {  	v4 =	vld.idx.msk [tilespmem:v4+s21+$0x0], $0xffff;
	_ =	sdelay $0x4  }
0x2f: {  	[tilespmem:$0xD80] =	vst v4  }
0x30: {  	v4 =	vld.idx.msk [tilespmem:v6+s7+$0x0], $0xffff;
	_ =	sdelay $0x6  }
0x31: {  	[tilespmem:$0xC90] =	vst v4  }
0x32: {  	v5 =	vld.idx.msk [tilespmem:v4+s20+$0x0], $0xffff;
	_ =	sdelay $0x4  }
0x33: {  	[tilespmem:$0xD10] =	vst v5  }
0x34: {  	v4 =	vld.idx.msk [tilespmem:v4+s21+$0x0], $0xffff;
	_ =	sdelay $0x4  }
0x35: {  	s24 =	simm.s32 $0xD00;
	[tilespmem:$0xD90] =	vst v4  }
0x36: {  	[hbm4b:s10+s7] =	stream.linear.scatter [tilespmem:s24], [sflag:$0x1], $0x20, $0x38;
	[tilespmem:$0x1CE00] =	vst v63  }
0x37: {  	_ =	swait.ge [sflag:s19], $0x20  }
0x38: {  	[sflag:s19] =	ssyncset.done $0x0  }
0x39: {  	s26 =	simm.s32 $0xD80;
	[sflag:s19] =	ssyncadd.s32 $0xFFFFFFE0  }
0x3a: {  	[hbm4b:s11+s7] =	stream.linear.scatter [tilespmem:s26], [sflag:$0x1], $0x20, $0x38;
	[tilespmem:$0x1CE00] =	vst v63  }
0x3b: {  	_ =	swait.ge [sflag:s19], $0x20  }
0x3c: {  	[sflag:s19] =	ssyncset.done $0x0  }
0x3d: {  	s28 =	simm.s32 $0x0;
	[sflag:s19] =	ssyncadd.s32 $0xFFFFFFE0  }
0x3e: {  	v4 =	vld.msk [tilespmem:s28+$0xC80], $0xff;
	_ =	sdelay $0x4  }
0x3f: {  	v4 =	vmul.u32 $0x3000, v4;
	_ =	sdelay $0x1  }
0x40: {  	v4 =	vperm.xlane v4, v0;
	_ =	sdelay $0x5  }
0x41: {  	[tilespmem:s25], [sflag:$0x1] =	stream.indirect_vreg.gather [hbm4b:s0+s7], $0x3000, v4, vm0, $0x38;
	[tilespmem:$0x1CE00] =	vst v63  }
0x42: {  	_ =	swait.ge [sflag:s19], $0x18000  }
0x43: {  	[sflag:s19] =	ssyncset.done $0x0  }
0x44: {  	[sflag:s19] =	ssyncadd.s32 $0xFFFE8000  }
0x45: {  	[hbm4b:s18+s7] =	stream.linear.scatter [tilespmem:s25], [sflag:$0x1], $0x18000, $0x38;
	[tilespmem:$0x1CE00] =	vst v63  }
0x46: {  	s22 =	sadd.s32 $0x3000, s18;
	_ =	swait.ge [sflag:s19], $0x18000  }
0x47: {  	s23 =	simm.s32 $0x20;
	s24 =	simm.s32 $0x40;
	[sflag:s19] =	ssyncset.done $0x0  }
.LBB2_2:
0x48: {  	s26 =	sshra.s32 s23, $0x2  }
0x49: {  	[sflag:s19] =	ssyncadd.s32 $0xFFFE8000;
	s23 =	smov.u32 s24;
	s28 =	sadd.s32 $0x20, s24  }
0x4a: {  	p0 =	sne.s32 s24, $0x60;
	v4 =	vld.msk [tilespmem:s26+$0xC80], $0xff;
	_ =	sdelay $0x4  }
0x4b: {  	v4 =	vmul.u32 $0x3000, v4;
	_ =	sdelay $0x1  }
0x4c: {  	v4 =	vperm.xlane v4, v0;
	_ =	sdelay $0x5  }
0x4d: {  	[tilespmem:s25], [sflag:$0x1] =	stream.indirect_vreg.gather [hbm4b:s0+s7], $0x3000, v4, vm0, $0x38;
	[tilespmem:$0x1CE00] =	vst v63  }
0x4e: {  	_ =	swait.ge [sflag:s19], $0x18000  }
.Ltmp0:
0x4f: {  	[sflag:s19] =	ssyncset.done $0x0;
	(pc) =	sbr.rel @p0 .LBB2_2-.Ltmp0, $4  }
0x50: {  	[sflag:s19] =	ssyncadd.s32 $0xFFFE8000  }
0x51: {  	[hbm4b:s22+s7] =	stream.linear.scatter [tilespmem:s25], [sflag:$0x1], $0x18000, $0x38;
	[tilespmem:$0x1CE00] =	vst v63  }
0x52: {  	_ =	swait.ge [sflag:s19], $0x18000  }
0x53: {  	s24 =	smov.u32 s28;
	s22 =	sadd.s32 $0x3000, s22;
	[sflag:s19] =	ssyncset.done $0x0  }
0x54: {  	s23 =	sshra.s32 s23, $0x2;
	[sflag:s19] =	ssyncadd.s32 $0xFFFE8000  }
0x55: {  	v4 =	vld.msk [tilespmem:s23+$0xC80], $0xff;
	_ =	sdelay $0x4  }
0x56: {  	v4 =	vmul.u32 $0x3000, v4;
	_ =	sdelay $0x1  }
0x57: {  	v4 =	vperm.xlane v4, v0;
	_ =	sdelay $0x5  }
0x58: {  	[tilespmem:s25], [sflag:$0x1] =	stream.indirect_vreg.gather [hbm4b:s0+s7], $0x3000, v4, vm0, $0x38;
	[tilespmem:$0x1CE00] =	vst v63  }
0x59: {  	_ =	swait.ge [sflag:s19], $0x18000  }
0x5a: {  	[sflag:s19] =	ssyncset.done $0x0  }
0x5b: {  	[sflag:s19] =	ssyncadd.s32 $0xFFFE8000  }
0x5c: {  	[hbm4b:s22+s7] =	stream.linear.scatter [tilespmem:s25], [sflag:$0x1], $0x18000, $0x38;
	[tilespmem:$0x1CE00] =	vst v63  }
0x5d: {  	_ =	swait.ge [sflag:s19], $0x18000  }
0x5e: {  	[sflag:s19] =	ssyncset.done $0x0  }
0x5f: {  	[sflag:s19] =	ssyncadd.s32 $0xFFFE8000  }
0x60: {  	s28 =	simm.s32 $0x20;
	s24 =	simm.s32 $0xC80;
	s26 =	rddreg [dreg:$0x1]  }
0x61: {  	[tilespmem:s29], [sflag:$0x1] =	stream.indirect.gather [hbm4b:s26+s28], $0x80, s24, s28, $0xb8;
	[tilespmem:$0x1CE00] =	vst v63  }
0x62: {  	_ =	swait.ge [sflag:s19], $0x1000  }
0x63: {  	[sflag:s19] =	ssyncset.done $0x0  }
0x64: {  	[sflag:s19] =	ssyncadd.s32 $0xFFFFF000  }
0x65: {  	[hbm4b:s12+s7] =	stream.linear.scatter [tilespmem:s29], [sflag:$0x1], $0x1000, $0x38;
	[tilespmem:$0x1CE00] =	vst v63  }
0x66: {  	_ =	swait.ge [sflag:s19], $0x1000  }
0x67: {  	[sflag:s19] =	ssyncset.done $0x0  }
0x68: {  	[sflag:s19] =	ssyncadd.s32 $0xFFFFF000  }
0x69: {  	v4 =	vld [tilespmem:$0xC80];
	_ =	sdelay $0x4  }
0x6a: {  	v5 =	vshrl.u32 v4, $0x3  }
0x6b: {  	v5 =	vmul.u32 $0x30, v5  }
0x6c: {  	v4 =	vand.u32 $0x7, v4  }
0x6d: {  	v4 =	vor.u32 v4, v5  }
0x6e: {  	v5 =	vperm.xlane v4, v1;
	_ =	sdelay $0x1  }
0x6f: {  	v5 =	vadd.s32 v2, v5;
	_ =	sdelay $0x3  }
0x70: {  	v4 =	vperm.xlane v4, v3  }
0x71: {  	[tilespmem:s30], [sflag:$0x1] =	stream.indirect_vreg.gather [hbm4b:s2+s7], $0x80, v5, vm1, $0xb8;
	[tilespmem:$0x1CE00] =	vst v63  }
0x72: {  	v4 =	vadd.s32 v2, v4  }
0x73: {  	[tilespmem:s31], [sflag:$0x1] =	stream.indirect_vreg.gather [hbm4b:s13+s7], $0x80, v5, vm1, $0xb8;
	[tilespmem:$0x1CE00] =	vst v63  }
0x74: {  	_ = 	snop  }
0x75: {  	[tilespmem:s5], [sflag:$0x1] =	stream.indirect_vreg.gather [hbm4b:s14+s7], $0x80, v5, vm1, $0xb8;
	[tilespmem:$0x1CE00] =	vst v63  }
0x76: {  	_ = 	snop  }
0x77: {  	[tilespmem:s6], [sflag:$0x1] =	stream.indirect_vreg.gather [hbm4b:s2+s7], $0x80, v4, vm1, $0xb8;
	[tilespmem:$0x1CE00] =	vst v63  }
0x78: {  	_ = 	snop  }
0x79: {  	[tilespmem:s1], [sflag:$0x1] =	stream.indirect_vreg.gather [hbm4b:s13+s7], $0x80, v4, vm1, $0xb8;
	[tilespmem:$0x1CE00] =	vst v63  }
0x7a: {  	_ = 	snop  }
0x7b: {  	[tilespmem:s3], [sflag:$0x1] =	stream.indirect_vreg.gather [hbm4b:s14+s7], $0x80, v4, vm1, $0xb8;
	[tilespmem:$0x1CE00] =	vst v63  }
0x7c: {  	_ =	swait.ge [sflag:s19], $0x3000  }
0x7d: {  	[sflag:s19] =	ssyncset.done $0x0  }
0x7e: {  	[sflag:s19] =	ssyncadd.s32 $0xFFFFD000  }
0x7f: {  	[hbm4b:s15+s7] =	stream.linear.scatter [tilespmem:s30], [sflag:$0x1], $0x3000, $0x38;
	[tilespmem:$0x1CE00] =	vst v63  }
0x80: {  	_ =	swait.ge [sflag:s19], $0x3000  }
0x81: {  	[sflag:s19] =	ssyncset.done $0x0  }
0x82: {  	[sflag:s19] =	ssyncadd.s32 $0xFFFFD000  }
0x83: {  	v4 =	vld [tilespmem:$0xC90];
	_ =	sdelay $0x4  }
0x84: {  	v5 =	vshrl.u32 v4, $0x3  }
0x85: {  	v5 =	vmul.u32 $0x30, v5  }
0x86: {  	v4 =	vand.u32 $0x7, v4  }
0x87: {  	v4 =	vor.u32 v4, v5  }
0x88: {  	v5 =	vperm.xlane v4, v1;
	_ =	sdelay $0x1  }
0x89: {  	v5 =	vadd.s32 v2, v5;
	_ =	sdelay $0x3  }
0x8a: {  	v4 =	vperm.xlane v4, v3  }
0x8b: {  	[tilespmem:s30], [sflag:$0x1] =	stream.indirect_vreg.gather [hbm4b:s2+s7], $0x80, v5, vm1, $0xb8;
	[tilespmem:$0x1CE00] =	vst v63  }
0x8c: {  	v4 =	vadd.s32 v2, v4  }
0x8d: {  	[tilespmem:s31], [sflag:$0x1] =	stream.indirect_vreg.gather [hbm4b:s13+s7], $0x80, v5, vm1, $0xb8;
	[tilespmem:$0x1CE00] =	vst v63  }
0x8e: {  	_ = 	snop  }
0x8f: {  	[tilespmem:s5], [sflag:$0x1] =	stream.indirect_vreg.gather [hbm4b:s14+s7], $0x80, v5, vm1, $0xb8;
	[tilespmem:$0x1CE00] =	vst v63  }
0x90: {  	_ = 	snop  }
0x91: {  	[tilespmem:s6], [sflag:$0x1] =	stream.indirect_vreg.gather [hbm4b:s2+s7], $0x80, v4, vm1, $0xb8;
	[tilespmem:$0x1CE00] =	vst v63  }
0x92: {  	_ = 	snop  }
0x93: {  	[tilespmem:s1], [sflag:$0x1] =	stream.indirect_vreg.gather [hbm4b:s13+s7], $0x80, v4, vm1, $0xb8;
	[tilespmem:$0x1CE00] =	vst v63  }
0x94: {  	_ = 	snop  }
0x95: {  	[tilespmem:s3], [sflag:$0x1] =	stream.indirect_vreg.gather [hbm4b:s14+s7], $0x80, v4, vm1, $0xb8;
	[tilespmem:$0x1CE00] =	vst v63  }
0x96: {  	s4 =	sadd.s32 $0x1, s4;
	_ =	swait.ge [sflag:s19], $0x3000  }
0x97: {  	p0 =	sne.s32 s4, s16;
	[sflag:s19] =	ssyncset.done $0x0  }
.Ltmp1:
0x98: {  	[sflag:s19] =	ssyncadd.s32 $0xFFFFD000;
	(pc) =	sbr.rel @p0 .LBB2_1-.Ltmp1, $4  }
0x99: {  	[hbm4b:s17+s7] =	stream.linear.scatter [tilespmem:s30], [sflag:$0x1], $0x3000, $0x38;
	[tilespmem:$0x1CE00] =	vst v63  }
0x9a: {  	_ =	swait.ge [sflag:s19], $0x3000  }
0x9b: {  	[sflag:s19] =	ssyncset.done $0x0  }
0x9c: {  	[sflag:s19] =	ssyncadd.s32 $0xFFFFD000  }
0x9d: {  	_ =	sfence.sel $0x180000  }
0x9e: {  	[bflag:$0x0] =	sbarrier.arrive $0xFFFF  }
0x9f: {  	_ =	strace $0x9000004A  }
0xa0: {  	s0 =	stileid.u32;
	[bflag:$0x2] =	sbarrier.arrive $0xFFFF  }
0xa1: {  	p0 =	sne.s32 s0, $0x0;
	s0 =	rddreg [dreg:$0xb]  }
0xa2: {  	s0 =	sadd.s32 @!p0 $0x100000, s0  }
0xa3: {  	[sflag:s0] =	ssyncadd.tile.s32 @!p0 $0x1;
	_ =	shalt  }
.Lfunc_end2:
_tile_overlayer_lowered:
.L_overlay_start_2:
0xa4: {  	(tag) =	ssettag $0x2  }
0xa5: {  	s0 =	rddreg [dreg:$0x0];
	s2 =	stileid.u32  }
0xa6: {  	s1 =	rddreg [dreg:$0x1];
	p0 =	sne.s32 s2, $0x0  }
0xa7: {  	s3 =	rddreg [dreg:$0x2];
	[bflag:$0x3] =	sbarrier.arrive $0xFFFF;
	s2 =	simm.s32 @!p0 $0x1C01  }
0xa8: {  	[timem:s3], [sflag:s2] =	dma.local @!p0 [hbm:s0], s1  }
0xa9: {  	s0 =	simm.s32 @!p0 $0x1  }
0xaa: {  	_ =	swait.ge @!p0 [sflag:s0], s1  }
0xab: {  	s1 =	ssub.s32 @!p0 $0x0, s1;
	[sflag:s0] =	ssyncset.done @!p0 $0x0  }
0xac: {  	[sflag:s0] =	ssyncadd.s32 @!p0 s1  }
0xad: {  	[bflag:$0x3] =	sbarrier.arrive $0xFFFF  }
0xae: {  	_ =	shalt  }

// kernel: scatter_offload_async_start
scs
__scs_entry_jumppad:
0x0: {  	(pc) =	sbr.rel $0x88, $3  }
0x1: {  	(tag) =	ssettag $0x0;
	lr =	simm.s32 $0x1  }
0x2: {  	[smem:$0x3F9C] =	sst lr;
	_ =	strace $0xD0000000  }
0x3: {  	_ = 	snop  }
0x4: {  	_ = 	snop  }
0x5: {  	_ = 	snop  }
0x6: {  	_ = 	snop  }
0x7: {  	_ = 	snop  }
__scs_overlays_trampoline_lowered:
0x8: {  	[smem:$0x3FAB] =	sst s0  }
0x9: {  	[smem:$0x3FAC] =	sst s1  }
0xa: {  	[smem:$0x3FAD] =	sst s2  }
0xb: {  	[smem:$0x3FAE] =	sst s3  }
0xc: {  	[smem:$0x3FAF] =	sst s4  }
0xd: {  	[smem:$0x3FB0] =	sst s5  }
0xe: {  	[smem:$0x3FB1] =	sst s6  }
0xf: {  	[smem:$0x3FB2] =	sst s7  }
0x10: {  	[smem:$0x3FB3] =	sst s8  }
0x11: {  	[smem:$0x3FB4] =	sst s9;
	s0 =	simm.s32 @!p0 $0x0  }
0x12: {  	s1 =	sld [smem:$0x3F9A];
	s0 =	simm.s32 @p0 $0x1  }
0x13: {  	[smem:$0x3FB5] =	sst s0;
	s0 =	simm.s32 @!p1 $0x0  }
0x14: {  	s2 =	sld [smem:$0x3F99];
	s0 =	simm.s32 @p1 $0x1  }
0x15: {  	[smem:$0x3FB6] =	sst s0;
	s0 =	simm.s32 @!p2 $0x0  }
0x16: {  	s3 =	sld [smem:$0x3FDB];
	s0 =	simm.s32 @p2 $0x1  }
0x17: {  	s4 =	simm.s32 $0x1BF5;
	[smem:$0x3FB8] =	sst s0  }
0x18: {  	s0 =	sld [smem:$0x3F9B];
	_ =	swait.ge [sflag:s4], $0x0  }
0x19: {  	s7 =	sld [smem:$0x3F9C]  }
0x1a: {  	s8 =	sadd.s32 $0xFFFFE003, lr  }
0x1b: {  	s9 =	sadd.s32 $0xFFFFFEF7, lr;
	s5 =	simm.s32 $0xFFFFFFFF;
	p2 =	slt.u32 s8, $0xFFFFF086  }
0x1c: {  	p1 =	slt.u32 s9, $0xF7A;
	s5 =	simm.s32 @!p2 $0x0  }
0x1d: {  	s5 =	simm.s32 @p1 $0x1;
	p0 =	seq.s32 s7, s2  }
0x1e: {  	s7 =	smul.u32 @!p0 $0xF7A, s2;
	p2 =	seq.s32 @!p0 s5, $0x0  }
0x1f: {  	s9 =	smul.u32 $0xF7A, s1;
	s8 =	simm.s32 @!p0 $0x1BF5;
	p2 =	por !p2, p0  }
0x20: {  	[sflag:s8] =	ssyncset.s32 @!p0 $0xFFFFF086;
	s6 =	sadd.s32 @!p0 s3, s7;
	s7 =	simm.s32 @!p0 $0x108  }
0x21: {  	s3 =	sadd.s32 s3, s9;
	s6 =	sadd.s32 @!p0 $0x88, s6;
	s7 =	simm.s32 @p2 $0x1082  }
0x22: {  	[simem:s7], [sflag:s8] =	dma.local @!p0 [hbm:s6], $0xF7A  }
0x23: {  	s9 =	sor.u32 $0xD0000000, s2;
	s6 =	simm.s32 $0x108;
	_ =	swait.ge @!p0 [sflag:s8], $0x0  }
0x24: {  	s3 =	sadd.s32 $0x88, s3;
	s6 =	simm.s32 @!p1 $0x1082;
	[sflag:s4] =	ssyncset.s32 $0xFFFFF086  }
0x25: {  	[simem:s6], [sflag:s4] =	dma.local [hbm:s3], $0xF7A  }
0x26: {  	[smem:$0x3F9C] =	sst s1;
	(tag) =	ssettag s2;
	_ =	strace s9  }
0x27: {  	s1 =	sld [smem:$0x3FAC]  }
0x28: {  	s2 =	sld [smem:$0x3FAD]  }
0x29: {  	s4 =	sld [smem:$0x3FAF]  }
0x2a: {  	p0 =	seq.s32 s5, $0x0;
	s5 =	sld [smem:$0x3FB0]  }
0x2b: {  	s6 =	sld [smem:$0x3FB1]  }
0x2c: {  	s7 =	sld [smem:$0x3FB2]  }
0x2d: {  	s3 =	simm.s32 $0x108;
	s8 =	sld [smem:$0x3FB3]  }
0x2e: {  	s3 =	simm.s32 @!p0 $0x1082;
	s9 =	sld [smem:$0x3FB4]  }
0x2f: {  	lr =	sadd.s32 s0, s3;
	s0 =	sld [smem:$0x3FAB]  }
0x30: {  	s3 =	sld [smem:$0x3FAE]  }
0x31: {  	[smem:$0x3FB7] =	sst s10  }
0x32: {  	s10 =	sld [smem:$0x3FB5];
	_ =	sdelay $0x3  }
0x33: {  	p0 =	seq.s32 s10, $0x1;
	s10 =	sld [smem:$0x3FB7];
	_ =	sdelay $0x3  }
0x34: {  	[smem:$0x3FB7] =	sst s10  }
0x35: {  	s10 =	sld [smem:$0x3FB6];
	_ =	sdelay $0x3  }
0x36: {  	p1 =	seq.s32 s10, $0x1;
	s10 =	sld [smem:$0x3FB7];
	_ =	sdelay $0x3  }
0x37: {  	[smem:$0x3FB7] =	sst s10  }
0x38: {  	s10 =	sld [smem:$0x3FB8]  }
0x39: {  	_ = 	snop;
	(pc) =	sbr.ind lr, $3  }
0x3a: {  	_ = 	snop  }
0x3b: {  	_ = 	snop  }
0x3c: {  	p2 =	seq.s32 s10, $0x1;
	s10 =	sld [smem:$0x3FB7]  }
0x3d: {  	_ =	shalt  }
0x3e: {  	_ =	shalt  }
0x3f: {  	_ =	shalt  }
0x40: {  	_ =	shalt  }
0x41: {  	_ =	shalt  }
0x42: {  	_ =	shalt  }
0x43: {  	_ =	shalt  }
0x44: {  	_ =	shalt  }
0x45: {  	_ =	shalt  }
0x46: {  	_ =	shalt  }
0x47: {  	_ =	shalt  }
0x48: {  	_ =	shalt  }
0x49: {  	_ =	shalt  }
0x4a: {  	_ =	shalt  }
0x4b: {  	_ =	shalt  }
0x4c: {  	_ =	shalt  }
0x4d: {  	_ =	shalt  }
0x4e: {  	_ =	shalt  }
0x4f: {  	_ =	shalt  }
0x50: {  	_ =	shalt  }
0x51: {  	_ =	shalt  }
0x52: {  	_ =	shalt  }
0x53: {  	_ =	shalt  }
0x54: {  	_ =	shalt  }
0x55: {  	_ =	shalt  }
0x56: {  	_ =	shalt  }
0x57: {  	_ =	shalt  }
0x58: {  	_ =	shalt  }
0x59: {  	_ =	shalt  }
0x5a: {  	_ =	shalt  }
0x5b: {  	_ =	shalt  }
0x5c: {  	_ =	shalt  }
0x5d: {  	_ =	shalt  }
0x5e: {  	_ =	shalt  }
0x5f: {  	_ =	shalt  }
0x60: {  	_ =	shalt  }
0x61: {  	_ =	shalt  }
0x62: {  	_ =	shalt  }
0x63: {  	_ =	shalt  }
0x64: {  	_ =	shalt  }
0x65: {  	_ =	shalt  }
0x66: {  	_ =	shalt  }
0x67: {  	_ =	shalt  }
0x68: {  	_ =	shalt  }
0x69: {  	_ =	shalt  }
0x6a: {  	_ =	shalt  }
0x6b: {  	_ =	shalt  }
0x6c: {  	_ =	shalt  }
0x6d: {  	_ =	shalt  }
0x6e: {  	_ =	shalt  }
0x6f: {  	_ =	shalt  }
0x70: {  	_ =	shalt  }
0x71: {  	_ =	shalt  }
0x72: {  	_ =	shalt  }
0x73: {  	_ =	shalt  }
0x74: {  	_ =	shalt  }
0x75: {  	_ =	shalt  }
0x76: {  	_ =	shalt  }
0x77: {  	_ =	shalt  }
0x78: {  	_ =	shalt  }
0x79: {  	_ =	shalt  }
0x7a: {  	_ =	shalt  }
0x7b: {  	_ =	shalt  }
0x7c: {  	_ =	shalt  }
0x7d: {  	_ =	shalt  }
0x7e: {  	_ =	shalt  }
0x7f: {  	_ =	shalt  }
0x80: {  	_ =	shalt  }
0x81: {  	_ =	shalt  }
0x82: {  	_ =	shalt  }
0x83: {  	_ =	shalt  }
0x84: {  	_ =	shalt  }
0x85: {  	_ =	shalt  }
0x86: {  	_ =	shalt  }
0x87: {  	_ =	shalt  }
.Lfunc_end0:
.L_simem_size_0:
called_computation_lowered:
.L_overlay_start_0:
0x88: {  	s0 =	sld [smem:$0x3FD9]  }
0x89: {  	s1 =	sld [smem:$0x3FFE];
	_ =	sdelay $0x3  }
0x8a: {  	s0 =	sadd.s32 s1, s0  }
0x8b: {  	[smem:$0x3FC3] =	sst s0  }
0x8c: {  	_ = 	snop  }
0x8d: {  	s0 =	sld [smem:$0x3FD0];
	_ =	sdelay $0x2  }
0x8e: {  	s14 =	simm.s32 $0xA;
	s2 =	simm.s32 $0x10  }
0x8f: {  	[smem:s2], [sflag:s14] =	dma.local [hbm:s0], $0x1  }
0x90: {  	_ =	swait.eq [sflag:s14], $0x1  }
0x91: {  	s15 =	sld [smem:$0x10];
	[sflag:s14] =	ssyncset.done $0x0  }
0x92: {  	s16 =	sld [smem:$0x13];
	[sflag:s14] =	ssyncadd.s32 $0xFFFFFFFF  }
0x93: {  	s17 =	sld [smem:$0x14];
	(tm) =	ssettm $0x1  }
0x94: {  	s3 =	sld [smem:$0x3FFB];
	_ =	sdelay $0x3  }
0x95: {  	_ =	strace s3  }
0x96: {  	s3 =	sld [smem:$0x3FFC];
	_ =	sdelay $0x3  }
0x97: {  	_ =	strace s3  }
0x98: {  	s3 =	sld [smem:$0x3FFD];
	_ =	sdelay $0x3  }
0x99: {  	_ =	strace s3  }
0x9a: {  	_ =	strace $0x8FFFFFFF  }
0x9b: {  	s18 =	sld [smem:$0x3FDB];
	_ =	sdelay $0x1  }
0x9c: {  	s4 =	simm.s32 $_scs_section_size  }
0x9d: {  	s5 =	simm.s32 $_size__tile_overlayer_lowered;
	s6 =	simm.s32 $_tile_overlayer_lowered  }
0x9e: {  	s21 =	simm.s32 $0x1BFF;
	s20 =	sshll.u32 s6, $0x1;
	s3 =	sadd.s32 s4, s18  }
0x9f: {  	s7 =	simm.s32 $0x0;
	s19 =	sshll.u32 s5, $0x1;
	s5 =	sadd.s32 s20, s3  }
0xa0: {  	[timem:s7], [sflag:s21] =	dma.local [hbm:s5], s19  }
0xa1: {  	_ =	swait.ge [sflag:s21], s19  }
0xa2: {  	s4 =	ssub.s32 $0x0, s19;
	[sflag:s21] =	ssyncset.done $0x0  }
0xa3: {  	[sflag:s21] =	ssyncadd.s32 s4;
	_ =	sdelay $0x1  }
0xa4: {  	s22 =	simm.s32 $0x1B8B  }
0xa5: {  	_ =	swait.ge [sflag:s22], $0x1  }
0xa6: {  	[sflag:s22] =	ssyncset.done $0x0  }
0xa7: {  	s23 =	simm.s32 $0x1B8E;
	[sflag:s22] =	ssyncadd.s32 $0xFFFFFFFF  }
0xa8: {  	s24 =	simm.s32 $execute0_lowered;
	[smem:$0x3FD2] =	sst s23  }
0xa9: {  	s4 =	sshll.u32 s24, $0x1;
	_ =	strace $0x80000046;
	[dreg:$0x1] =	wrdreg $0xFFFFFFFF  }
0xaa: {  	s25 =	simm.s32 $_size_execute0_lowered;
	s3 =	sadd.s32 s3, s4;
	[dreg:$0x0] =	wrdreg $0x0  }
0xab: {  	s4 =	sshll.u32 s25, $0x1;
	[dreg:$0x2] =	wrdreg s3  }
0xac: {  	[dreg:$0x3] =	wrdreg s4  }
0xad: {  	[dreg:$0x4] =	wrdreg $0xC0  }
0xae: {  	_ =	task [dreg:s7], $0x5FFFF  }
0xaf: {  	[dreg:$0x1] =	wrdreg $0xFFFFFFFF  }
0xb0: {  	[dreg:$0x0] =	wrdreg $0x60  }
0xb1: {  	[dreg:$0x2] =	wrdreg s15  }
0xb2: {  	[dreg:$0x3] =	wrdreg s17  }
0xb3: {  	[dreg:$0x4] =	wrdreg s16  }
0xb4: {  	[dreg:$0x5] =	wrdreg $0x9  }
0xb5: {  	_ =	task.clear_ibuf [dreg:s7], $0x6FFFF;
	_ =	strace $0x90000046  }
0xb6: {  	s26 =	simm.s32 $0x9;
	_ =	strace $0x80000048  }
0xb7: {  	_ =	swait.ge [sflag:s26], $0x1  }
0xb8: {  	[sflag:s26] =	ssyncadd.s32 $0xFFFFFFFF  }
0xb9: {  	_ =	strace $0x90000048  }
0xba: {  	_ =	sfence  }
0xbb: {  	s28 =	sld [smem:$0x0];
	_ =	sdelay $0x1  }
0xbc: {  	s29 =	srdreg.scid  }
0xbd: {  	s30 =	sshll.u32 s29, $0xD;
	s31 =	sshrl.u32 s29, $0x2  }
0xbe: {  	s1 =	sand.u32 $0x1, s29;
	s2 =	sand.u32 $0x4000, s30;
	s0 =	sadd.s32 s31, s28  }
0xbf: {  	s1 =	sor.u32 s2, s1;
	s0 =	sshll.u32 s0, $0x11  }
0xc0: {  	s0 =	sor.u32 s0, s1  }
0xc1: {  	s0 =	sadd.s32 $0x8F2B, s0  }
0xc2: {  	[sflag:s0] =	ssyncadd.remote.s32 $0x1  }
0xc3: {  	_ =	sfence.sel $0xFFFF  }
0xc4: {  	[dreg:$0x0] =	wrdreg $0xFFFFFFFF;
	(pc) =	sbr.abs _section_cstart, $3  }
0xc5: {  	[dreg:$0x1] =	wrdreg $0xFFFFFFFF  }
0xc6: {  	_ =	task.clear_ibuf [dreg:s7], $0x2FFFF;
	_ =	strace $0x9FFFFFFF  }
0xc7: {  	(tm) =	ssettm $0x7FFFFFFF  }
tec
execute0_lowered:
.L_overlay_start_1:
0x0: {  	(tag) =	ssettag $0x1  }
0x1: {  	s1 =	rddreg [dreg:$0x0]  }
0x2: {  	s2 =	rddreg [dreg:$0x1]  }
0x3: {  	s3 =	rddreg [dreg:$0x2]  }
0x4: {  	s0 =	rddreg [dreg:$0x3];
	s4 =	stileid.u32  }
0x5: {  	_ =	strace $0x80000047;
	s5 =	simm.s32 $0x3E;
	p0 =	sne.s32 s4, $0x0  }
0x6: {  	[sflag:s5] =	ssyncpa.u1 $0x0;
	s6 =	simm.s32 @!p0 $0x1C3E;
	s7 =	simm.s32 @!p0 $0x0  }
0x7: {  	[spmem:s7], [sflag:s6] =	dma.local @!p0 [hbm:s1], $0x10  }
0x8: {  	s6 =	simm.s32 @!p0 $0x3E  }
0x9: {  	_ =	swait.ge @!p0 [sflag:s6], $0x10  }
0xa: {  	[sflag:s6] =	ssyncset.done @!p0 $0x0  }
0xb: {  	[sflag:s6] =	ssyncadd.s32 @!p0 $0xFFFFFFF0  }
0xc: {  	s20 =	simm.s32 $0x1;
	[bflag:$0x0] =	sbarrier.arrive $0xFFFF  }
0xd: {  	s21 =	simm.s32 $0x2;
	s8 =	simm.s32 $0x0;
	[sflag:s5] =	ssyncpa.u1 $0x1  }
0xe: {  	s9 =	simm.s32 $0x48;
	s4 =	sshll.u32 s4, $0x3;
	[sflag:s20] =	ssyncpa.u1 $0x0  }
0xf: {  	s2 =	sadd.s32 s2, s4;
	(ifvalue) =	ssetifvalue $0x80;
	[sflag:s21] =	ssyncpa.u1 $0x0  }
0x10: {  	[tilespmem:s9], [sflag:$0x2] =	stream.linear.gather [hbm4b:s2+s8], $0x40, $0x38;
	[tilespmem:$0x108] =	vst v63  }
0x11: {  	s23 =	simm.s32 $0xC8;
	s22 =	sadd.s32 s3, s4  }
0x12: {  	[tilespmem:s23], [sflag:$0x2] =	stream.linear.gather [hbm4b:s22+s8], $0x40, $0x38;
	[tilespmem:$0x108] =	vst v63  }
0x13: {  	_ =	swait.ge [sflag:s21], $0x80  }
0x14: {  	[sflag:s21] =	ssyncset.done $0x0  }
0x15: {  	[sflag:s21] =	ssyncadd.s32 $0xFFFFFF80  }
0x16: {  	v0 =	vld.msk [tilespmem:s9+$0x0 ss:$0x1], $0xffff;
	_ =	sdelay $0x4  }
0x17: {  	v0 =	vmin.u32 v0, $0x80;
	_ =	sdelay $0x3  }
0x18: {  	vm0 =	vmmov $0xffff;
	s24 =	simm.s32 $0x58  }
0x19: {  	[spmem:s8] =	stream.indirect_vreg.scatter.add.s32 [tilespmem:s23], [sflag:$0x1], $0x1, v0, vm0, $0x4038;
	[tilespmem:$0x108] =	vst v63  }
0x1a: {  	v0 =	vld.msk [tilespmem:s24+$0x0 ss:$0x1], $0xffff;
	_ =	sdelay $0x4  }
0x1b: {  	v0 =	vmin.u32 v0, $0x80;
	_ =	sdelay $0x3  }
0x1c: {  	s25 =	simm.s32 $0xD8;
	s26 =	simm.s32 $0x68  }
0x1d: {  	[spmem:s8] =	stream.indirect_vreg.scatter.add.s32 [tilespmem:s25], [sflag:$0x1], $0x1, v0, vm0, $0x4038;
	[tilespmem:$0x108] =	vst v63  }
0x1e: {  	v0 =	vld.msk [tilespmem:s26+$0x0 ss:$0x1], $0xffff;
	_ =	sdelay $0x4  }
0x1f: {  	v0 =	vmin.u32 v0, $0x80;
	_ =	sdelay $0x3  }
0x20: {  	s28 =	simm.s32 $0xE8;
	s29 =	simm.s32 $0x78  }
0x21: {  	[spmem:s8] =	stream.indirect_vreg.scatter.add.s32 [tilespmem:s28], [sflag:$0x1], $0x1, v0, vm0, $0x4038;
	[tilespmem:$0x108] =	vst v63  }
0x22: {  	v0 =	vld.msk [tilespmem:s29+$0x0 ss:$0x1], $0xffff;
	_ =	sdelay $0x4  }
0x23: {  	v0 =	vmin.u32 v0, $0x80;
	_ =	sdelay $0x3  }
0x24: {  	s30 =	simm.s32 $0xF8  }
0x25: {  	[spmem:s8] =	stream.indirect_vreg.scatter.add.s32 [tilespmem:s30], [sflag:$0x1], $0x1, v0, vm0, $0x4038;
	[tilespmem:$0x108] =	vst v63  }
0x26: {  	_ =	swait.ge [sflag:s20], $0x40  }
0x27: {  	[sflag:s20] =	ssyncset.done $0x0  }
0x28: {  	[sflag:s20] =	ssyncadd.s32 $0xFFFFFFC0  }
0x29: {  	_ =	sfence.sel $0x180000  }
0x2a: {  	[bflag:$0x0] =	sbarrier.arrive $0xFFFF  }
0x2b: {  	[sflag:s21] =	ssyncpa.u1 $0x1  }
0x2c: {  	[sflag:s20] =	ssyncpa.u1 $0x1  }
0x2d: {  	_ =	sfence.stream.spmem  }
0x2e: {  	s31 =	simm.s32 $0x3D;
	[bflag:$0x0] =	sbarrier.arrive $0xFFFF  }
0x2f: {  	s2 =	simm.s32 @p0 $0x3D;
	[sflag:s31] =	ssyncpa.u1 $0x0  }
0x30: {  	[sflag:s2] =	ssyncpa.u1 @p0 $0x1  }
0x31: {  	[bflag:$0x0] =	sbarrier.arrive @p0 $0xFFFF  }
0x32: {  	_ =	strace @p0 $0x90000047  }
0x33: {  	s2 =	simm.s32 @!p0 $0x1C3D;
	[bflag:$0x2] =	sbarrier.arrive @p0 $0xFFFF  }
0x34: {  	[hbm:s1], [sflag:s2] =	dma.local @!p0 [spmem:s7], $0x10  }
0x35: {  	s1 =	simm.s32 @!p0 $0x3D  }
0x36: {  	_ =	swait.ge @!p0 [sflag:s1], $0x10  }
0x37: {  	[sflag:s1] =	ssyncset.done @!p0 $0x0  }
0x38: {  	[sflag:s1] =	ssyncadd.s32 @!p0 $0xFFFFFFF0  }
0x39: {  	[sflag:s1] =	ssyncpa.u1 @!p0 $0x1  }
0x3a: {  	[bflag:$0x0] =	sbarrier.arrive @!p0 $0xFFFF  }
0x3b: {  	_ =	strace @!p0 $0x90000047  }
0x3c: {  	s0 =	sadd.s32 @!p0 $0x100000, s0;
	[bflag:$0x2] =	sbarrier.arrive @!p0 $0xFFFF  }
0x3d: {  	[sflag:s0] =	ssyncadd.tile.s32 @!p0 $0x1;
	_ =	shalt  }
.Lfunc_end2:
_tile_overlayer_lowered:
.L_overlay_start_2:
0x3e: {  	(tag) =	ssettag $0x2  }
0x3f: {  	s0 =	rddreg [dreg:$0x0];
	s2 =	stileid.u32  }
0x40: {  	s1 =	rddreg [dreg:$0x1];
	p0 =	sne.s32 s2, $0x0  }
0x41: {  	s3 =	rddreg [dreg:$0x2];
	[bflag:$0x3] =	sbarrier.arrive $0xFFFF;
	s2 =	simm.s32 @!p0 $0x1C01  }
0x42: {  	[timem:s3], [sflag:s2] =	dma.local @!p0 [hbm:s0], s1  }
0x43: {  	s0 =	simm.s32 @!p0 $0x1  }
0x44: {  	_ =	swait.ge @!p0 [sflag:s0], s1  }
0x45: {  	s1 =	ssub.s32 @!p0 $0x0, s1;
	[sflag:s0] =	ssyncset.done @!p0 $0x0  }
0x46: {  	[sflag:s0] =	ssyncadd.s32 @!p0 s1  }
0x47: {  	[bflag:$0x3] =	sbarrier.arrive $0xFFFF  }
0x48: {  	_ =	shalt  }

</sc_bundles>
